<compile_context>
chip_gen: v7x
topology: tpu7x:2x2x1
jax: 0.10.2.dev20260603
libtpu: 0.0.44.dev20260713+nightly
codegen_flags: <defaults>
</compile_context>

<pallas_src>
import functools

import jax
import jax.numpy as jnp
from jax import lax
from jax.experimental import pallas as pl
from jax.experimental.pallas import tpu as pltpu
from jax.experimental.pallas import tpu_sc as plsc


def _concat_tables(old2, new2, n_old_blk, n_new_blk, blk):
    def body(old_ref, new_ref, out_ref):
        i = pl.program_id(0)

        @pl.when(i < n_old_blk)
        def _():
            out_ref[...] = old_ref[...]

        @pl.when(i >= n_old_blk)
        def _():
            out_ref[...] = new_ref[...]

    total = n_old_blk + n_new_blk
    return pl.pallas_call(
        body,
        grid=(total,),
        in_specs=[
            pl.BlockSpec((blk, 128), lambda i: (jnp.minimum(i, n_old_blk - 1), 0)),
            pl.BlockSpec((blk, 128), lambda i: (jnp.maximum(i - n_old_blk, 0), 0)),
        ],
        out_specs=pl.BlockSpec((blk, 128), lambda i: (i, 0)),
        out_shape=jax.ShapeDtypeStruct((total * blk, 128), jnp.float32),
    )(old2, new2)


def _transpose_blocks(rows3, nb_total, k0, acc, hist, d):
    nb, bw = rows3.shape[0], rows3.shape[1]
    out_shape = jax.ShapeDtypeStruct((hist, d // 8, nb_total, 8, bw), jnp.float32)

    def body(in_ref, *refs):
        out_ref = refs[-1]
        x = in_ref[...].reshape(bw, hist * d)
        z = jnp.transpose(x)
        out_ref[...] = z.reshape(hist, d // 8, 1, 8, bw)

    in_specs = [pl.BlockSpec((1, bw, hist * d), lambda i: (i, 0, 0))]
    args = (rows3,)
    aliases = {}
    if acc is not None:
        in_specs.append(pl.BlockSpec(memory_space=pl.ANY))
        args = (rows3, acc)
        aliases = {1: 0}
    return pl.pallas_call(
        body,
        grid=(nb,),
        in_specs=in_specs,
        out_specs=pl.BlockSpec(
            (hist, d // 8, 1, 8, bw), lambda i: (0, 0, k0 + i, 0, 0)
        ),
        out_shape=out_shape,
        input_output_aliases=aliases,
    )(*args)


def kernel(input_ids, old_weight, new_weight):
    old_vocab, d = old_weight.shape
    new_vocab = new_weight.shape[0]
    batch, hist = input_ids.shape
    n = batch * hist

    packf = 128 // d
    blk = 1000
    n_old_blk = old_vocab // packf // blk
    n_new_blk = new_vocab // packf // blk
    combined = _concat_tables(
        old_weight.reshape(old_vocab // packf, 128),
        new_weight.reshape(new_vocab // packf, 128),
        n_old_blk,
        n_new_blk,
        blk,
    ).reshape(old_vocab + new_vocab, d)

    info = plsc.get_sparse_core_info()
    nc, ns = info.num_cores, info.num_subcores
    nw = nc * ns
    bw = batch // nw
    sub = 128
    nsl = 4
    n_sl = n // nsl
    per_w = n_sl // nw
    ch = 640
    iters = per_w // ch
    nb_sl = nw // nsl

    mesh = plsc.VectorSubcoreMesh(core_axis_name="c", subcore_axis_name="s")

    def make_gather(slice_base):
        @functools.partial(
            pl.kernel,
            mesh=mesh,
            compiler_params=pltpu.CompilerParams(use_tc_tiling_on_sc=False),
            out_type=jax.ShapeDtypeStruct((n_sl, d), jnp.float32),
            scratch_types=[
                pltpu.VMEM((ch,), jnp.int32),
                pltpu.VMEM((ch, d), jnp.float32),
                pltpu.SemaphoreType.DMA,
            ],
        )
        def gather_k(tbl_hbm, ids_hbm, out_hbm, idx_v, rows_v, sem):
            wid = lax.axis_index("s") * nc + lax.axis_index("c")
            base = wid * per_w

            def body(it, carry):
                off = base + it * ch
                pltpu.sync_copy(ids_hbm.at[pl.ds(slice_base + off, ch)], idx_v)
                copies = []
                for k in range(ch // sub):
                    copies.append(
                        pltpu.async_copy(
                            tbl_hbm.at[idx_v.at[pl.ds(k * sub, sub)]],
                            rows_v.at[pl.ds(k * sub, sub)],
                            sem,
                        )
                    )
                for cp in copies:
                    cp.wait()
                pltpu.sync_copy(rows_v, out_hbm.at[pl.ds(off, ch)])
                return carry

            lax.fori_loop(0, iters, body, 0)

        return gather_k

    ids_bh = input_ids.astype(jnp.int32).reshape(n)
    acc = None
    for k in range(nsl):
        rows_k = make_gather(k * n_sl)(combined, ids_bh)
        rows3 = rows_k.reshape(nb_sl, bw, hist * d)
        acc = _transpose_blocks(rows3, nw, k * nb_sl, acc, hist, d)

    out6 = acc.reshape(hist, d // 8, nw, 8, bw)
    return jnp.transpose(out6, (2, 4, 0, 1, 3)).reshape(batch, hist, d)

# --- scband reference (transcript-rebuilt; emitter-appended) ---
"""Pipeline reference for scband-extended-embedding-47562467836621 (READ-ONLY COPY).

The authoritative reference and input builder live on the scoring server;
editing this copy changes nothing except your own understanding.
"""

import jax, jax.numpy as jnp
import numpy as np

OLD_VOCAB = 100000
NEW_VOCAB = 10000
EMBED_DIM = 64
BATCH = 4096
HIST = 200


def setup_inputs(seed: int = 0) -> dict:
    key = jax.random.key(seed)
    k1, k2, k3 = jax.random.split(key, 3)
    old_weight = jax.random.normal(k1, (OLD_VOCAB, EMBED_DIM), dtype=jnp.float32)
    new_weight = jax.random.normal(k2, (NEW_VOCAB, EMBED_DIM), dtype=jnp.float32)
    input_ids = jax.random.randint(k3, (BATCH, HIST), 0, OLD_VOCAB + NEW_VOCAB, dtype=jnp.int64 if jax.config.jax_enable_x64 else jnp.int32)
    return {"input_ids": input_ids, "old_weight": old_weight, "new_weight": new_weight}


def reference(input_ids, old_weight, new_weight):
    old_vocab = old_weight.shape[0]
    is_old = input_ids < old_vocab
    # indices routed to each table; out-of-range slots masked to 0 (their rows are
    # overwritten by the select below, matching the torch masked-assignment logic)
    old_idx = jnp.where(is_old, input_ids, 0)
    new_idx = jnp.where(is_old, 0, input_ids - old_vocab)
    old_emb = jnp.take(old_weight, old_idx, axis=0)
    new_emb = jnp.take(new_weight, new_idx, axis=0)
    output = jnp.where(is_old[..., None], old_emb, new_emb)
    return output

if __name__ == "__main__":
    import jax
    _d = setup_inputs()
    print(jax.jit(kernel)(*tuple(_d.values())))

</pallas_src>

<mosaic_0001>
#map = affine_map<(d0, d1) -> (0, 0)>
#map1 = affine_map<(d0, d1) -> (0)>
module attributes {stable_mosaic.version = 14 : i64} {
  func.func @gather_k(%arg0: i32, %arg1: i32, %arg2: memref<110000x64xf32, #tpu.memory_space<hbm>>, %arg3: memref<819200xi32, #tpu.memory_space<hbm>>, %arg4: memref<204800x64xf32, #tpu.memory_space<hbm>>, %arg5: memref<640xi32, #tpu.memory_space<vmem>>, %arg6: memref<640x64xf32, #tpu.memory_space<vmem>>, %arg7: memref<!tpu.dma_semaphore, #tpu.memory_space<semaphore_mem>>) attributes {dimension_semantics = [#tpu.dimension_semantics<core_parallel>, #tpu.dimension_semantics<subcore_parallel>], iteration_bounds = array<i64: 2, 16>, scalar_prefetch = 0 : i64, scratch_operands = 3 : i64, tpu.core_type = #tpu.core_type<sc_vector_subcore>, window_params = [{transform_indices = #map}, {transform_indices = #map1}, {transform_indices = #map}]} {
    %mul3A = arith.constant 2 : i32
    %mul3A_0 = arith.muli %arg1, %mul3A : i32
    %add3A = arith.addi %mul3A_0, %arg0 : i32
    %mul3A_1 = arith.constant 6400 : i32
    %mul3A_2 = arith.muli %add3A, %mul3A_1 : i32
    %scan3A = arith.constant 0 : i32
    %scan3A_3 = arith.constant 0 : i32
    %scan3A_4 = arith.constant 10 : i32
    %scan3A_5 = arith.addi %scan3A_3, %scan3A_4 : i32
    %scan3A_6 = arith.constant 1 : i32
    scf.for %scan3A_8 = %scan3A_3 to %scan3A_5 step %scan3A_6  : i32 {
      %mul3A_9 = arith.constant 640 : i32
      %mul3A_10 = arith.muli %scan3A_8, %mul3A_9 : i32
      %add3A_11 = arith.addi %mul3A_2, %mul3A_10 : i32
      %add3A_12 = arith.constant 614400 : i32
      %add3A_13 = arith.addi %add3A_12, %add3A_11 : i32
      "tpu.region"() ({
        %run_scoped3A = tpu.sem_alloc : memref<!tpu.dma_semaphore, #tpu.memory_space<semaphore_mem>>
        %dma_start3A_92 = tpu.memref_slice %arg3[%add3A_13] : memref<819200xi32, #tpu.memory_space<hbm>> -> memref<640xi32, #tpu.memory_space<hbm>>
        %dma_start3A_93 = tpu.memref_slice %arg3[%add3A_13] : memref<819200xi32, #tpu.memory_space<hbm>> -> memref<640xi32, #tpu.memory_space<hbm>>
        tpu.enqueue_dma source(%dma_start3A_93 : memref<640xi32, #tpu.memory_space<hbm>>) target(%arg5 : memref<640xi32, #tpu.memory_space<vmem>>) target_semaphore(%run_scoped3A : memref<!tpu.dma_semaphore, #tpu.memory_space<semaphore_mem>>)
        %dma_wait3A_94 = tpu.memref_slice %arg3[%add3A_13] : memref<819200xi32, #tpu.memory_space<hbm>> -> memref<640xi32, #tpu.memory_space<hbm>>
        %dma_wait3A_95 = tpu.memref_slice %arg3[%add3A_13] : memref<819200xi32, #tpu.memory_space<hbm>> -> memref<640xi32, #tpu.memory_space<hbm>>
        tpu.wait_dma2 semaphore(%run_scoped3A : memref<!tpu.dma_semaphore, #tpu.memory_space<semaphore_mem>>) src(%dma_wait3A_95 : memref<640xi32, #tpu.memory_space<hbm>>) dst(%arg5 : memref<640xi32, #tpu.memory_space<vmem>>)
        tpu.yield
      }) : () -> ()
      %dma_start3A = arith.constant 0 : i32
      %dma_start3A_14 = arith.constant 0 : i32
      %dma_start3A_15 = tpu.memref_slice %arg6[%dma_start3A, %dma_start3A_14] : memref<640x64xf32, #tpu.memory_space<vmem>> -> memref<128x64xf32, #tpu.memory_space<vmem>>
      %dma_start3A_16 = arith.constant 0 : i32
      %dma_start3A_17 = tpu.memref_slice %arg5[%dma_start3A_16] : memref<640xi32, #tpu.memory_space<vmem>> -> memref<128xi32, #tpu.memory_space<vmem>>
      %dma_start3A_18 = arith.constant 0 : i32
      %dma_start3A_19 = arith.constant 0 : i32
      %dma_start3A_20 = tpu.memref_slice %arg2[%dma_start3A_18, %dma_start3A_19] : memref<110000x64xf32, #tpu.memory_space<hbm>> -> memref<110000x64xf32, #tpu.memory_space<hbm>>
      tpu.enqueue_indirect_dma source(%dma_start3A_20 : memref<110000x64xf32, #tpu.memory_space<hbm>>) target(%dma_start3A_15 : memref<128x64xf32, #tpu.memory_space<vmem>>) offsets(%dma_start3A_17 : memref<128xi32, #tpu.memory_space<vmem>>) semaphore(%arg7 : memref<!tpu.dma_semaphore, #tpu.memory_space<semaphore_mem>>)
      %dma_start3A_21 = arith.constant 128 : i32
      %dma_start3A_22 = arith.constant 0 : i32
      %dma_start3A_23 = tpu.memref_slice %arg6[%dma_start3A_21, %dma_start3A_22] : memref<640x64xf32, #tpu.memory_space<vmem>> -> memref<128x64xf32, #tpu.memory_space<vmem>>
      %dma_start3A_24 = arith.constant 128 : i32
      %dma_start3A_25 = tpu.memref_slice %arg5[%dma_start3A_24] : memref<640xi32, #tpu.memory_space<vmem>> -> memref<128xi32, #tpu.memory_space<vmem>>
      %dma_start3A_26 = arith.constant 0 : i32
      %dma_start3A_27 = arith.constant 0 : i32
      %dma_start3A_28 = tpu.memref_slice %arg2[%dma_start3A_26, %dma_start3A_27] : memref<110000x64xf32, #tpu.memory_space<hbm>> -> memref<110000x64xf32, #tpu.memory_space<hbm>>
      tpu.enqueue_indirect_dma source(%dma_start3A_28 : memref<110000x64xf32, #tpu.memory_space<hbm>>) target(%dma_start3A_23 : memref<128x64xf32, #tpu.memory_space<vmem>>) offsets(%dma_start3A_25 : memref<128xi32, #tpu.memory_space<vmem>>) semaphore(%arg7 : memref<!tpu.dma_semaphore, #tpu.memory_space<semaphore_mem>>)
      %dma_start3A_29 = arith.constant 256 : i32
      %dma_start3A_30 = arith.constant 0 : i32
      %dma_start3A_31 = tpu.memref_slice %arg6[%dma_start3A_29, %dma_start3A_30] : memref<640x64xf32, #tpu.memory_space<vmem>> -> memref<128x64xf32, #tpu.memory_space<vmem>>
      %dma_start3A_32 = arith.constant 256 : i32
      %dma_start3A_33 = tpu.memref_slice %arg5[%dma_start3A_32] : memref<640xi32, #tpu.memory_space<vmem>> -> memref<128xi32, #tpu.memory_space<vmem>>
      %dma_start3A_34 = arith.constant 0 : i32
      %dma_start3A_35 = arith.constant 0 : i32
      %dma_start3A_36 = tpu.memref_slice %arg2[%dma_start3A_34, %dma_start3A_35] : memref<110000x64xf32, #tpu.memory_space<hbm>> -> memref<110000x64xf32, #tpu.memory_space<hbm>>
      tpu.enqueue_indirect_dma source(%dma_start3A_36 : memref<110000x64xf32, #tpu.memory_space<hbm>>) target(%dma_start3A_31 : memref<128x64xf32, #tpu.memory_space<vmem>>) offsets(%dma_start3A_33 : memref<128xi32, #tpu.memory_space<vmem>>) semaphore(%arg7 : memref<!tpu.dma_semaphore, #tpu.memory_space<semaphore_mem>>)
      %dma_start3A_37 = arith.constant 384 : i32
      %dma_start3A_38 = arith.constant 0 : i32
      %dma_start3A_39 = tpu.memref_slice %arg6[%dma_start3A_37, %dma_start3A_38] : memref<640x64xf32, #tpu.memory_space<vmem>> -> memref<128x64xf32, #tpu.memory_space<vmem>>
      %dma_start3A_40 = arith.constant 384 : i32
      %dma_start3A_41 = tpu.memref_slice %arg5[%dma_start3A_40] : memref<640xi32, #tpu.memory_space<vmem>> -> memref<128xi32, #tpu.memory_space<vmem>>
      %dma_start3A_42 = arith.constant 0 : i32
      %dma_start3A_43 = arith.constant 0 : i32
      %dma_start3A_44 = tpu.memref_slice %arg2[%dma_start3A_42, %dma_start3A_43] : memref<110000x64xf32, #tpu.memory_space<hbm>> -> memref<110000x64xf32, #tpu.memory_space<hbm>>
      tpu.enqueue_indirect_dma source(%dma_start3A_44 : memref<110000x64xf32, #tpu.memory_space<hbm>>) target(%dma_start3A_39 : memref<128x64xf32, #tpu.memory_space<vmem>>) offsets(%dma_start3A_41 : memref<128xi32, #tpu.memory_space<vmem>>) semaphore(%arg7 : memref<!tpu.dma_semaphore, #tpu.memory_space<semaphore_mem>>)
      %dma_start3A_45 = arith.constant 512 : i32
      %dma_start3A_46 = arith.constant 0 : i32
      %dma_start3A_47 = tpu.memref_slice %arg6[%dma_start3A_45, %dma_start3A_46] : memref<640x64xf32, #tpu.memory_space<vmem>> -> memref<128x64xf32, #tpu.memory_space<vmem>>
      %dma_start3A_48 = arith.constant 512 : i32
      %dma_start3A_49 = tpu.memref_slice %arg5[%dma_start3A_48] : memref<640xi32, #tpu.memory_space<vmem>> -> memref<128xi32, #tpu.memory_space<vmem>>
      %dma_start3A_50 = arith.constant 0 : i32
      %dma_start3A_51 = arith.constant 0 : i32
      %dma_start3A_52 = tpu.memref_slice %arg2[%dma_start3A_50, %dma_start3A_51] : memref<110000x64xf32, #tpu.memory_space<hbm>> -> memref<110000x64xf32, #tpu.memory_space<hbm>>
      tpu.enqueue_indirect_dma source(%dma_start3A_52 : memref<110000x64xf32, #tpu.memory_space<hbm>>) target(%dma_start3A_47 : memref<128x64xf32, #tpu.memory_space<vmem>>) offsets(%dma_start3A_49 : memref<128xi32, #tpu.memory_space<vmem>>) semaphore(%arg7 : memref<!tpu.dma_semaphore, #tpu.memory_space<semaphore_mem>>)
      %dma_wait3A = arith.constant 0 : i32
      %dma_wait3A_53 = arith.constant 0 : i32
      %dma_wait3A_54 = tpu.memref_slice %arg6[%dma_wait3A, %dma_wait3A_53] : memref<640x64xf32, #tpu.memory_space<vmem>> -> memref<128x64xf32, #tpu.memory_space<vmem>>
      %dma_wait3A_55 = arith.constant 0 : i32
      %dma_wait3A_56 = tpu.memref_slice %arg5[%dma_wait3A_55] : memref<640xi32, #tpu.memory_space<vmem>> -> memref<128xi32, #tpu.memory_space<vmem>>
      %dma_wait3A_57 = arith.constant 0 : i32
      %dma_wait3A_58 = arith.constant 0 : i32
      %dma_wait3A_59 = tpu.memref_slice %arg2[%dma_wait3A_57, %dma_wait3A_58] : memref<110000x64xf32, #tpu.memory_space<hbm>> -> memref<110000x64xf32, #tpu.memory_space<hbm>>
      tpu.wait_indirect_dma semaphore(%arg7 : memref<!tpu.dma_semaphore, #tpu.memory_space<semaphore_mem>>) src(%dma_wait3A_59 : memref<110000x64xf32, #tpu.memory_space<hbm>>) dst(%dma_wait3A_54 : memref<128x64xf32, #tpu.memory_space<vmem>>)
      %dma_wait3A_60 = arith.constant 128 : i32
      %dma_wait3A_61 = arith.constant 0 : i32
      %dma_wait3A_62 = tpu.memref_slice %arg6[%dma_wait3A_60, %dma_wait3A_61] : memref<640x64xf32, #tpu.memory_space<vmem>> -> memref<128x64xf32, #tpu.memory_space<vmem>>
      %dma_wait3A_63 = arith.constant 128 : i32
      %dma_wait3A_64 = tpu.memref_slice %arg5[%dma_wait3A_63] : memref<640xi32, #tpu.memory_space<vmem>> -> memref<128xi32, #tpu.memory_space<vmem>>
      %dma_wait3A_65 = arith.constant 0 : i32
      %dma_wait3A_66 = arith.constant 0 : i32
      %dma_wait3A_67 = tpu.memref_slice %arg2[%dma_wait3A_65, %dma_wait3A_66] : memref<110000x64xf32, #tpu.memory_space<hbm>> -> memref<110000x64xf32, #tpu.memory_space<hbm>>
      tpu.wait_indirect_dma semaphore(%arg7 : memref<!tpu.dma_semaphore, #tpu.memory_space<semaphore_mem>>) src(%dma_wait3A_67 : memref<110000x64xf32, #tpu.memory_space<hbm>>) dst(%dma_wait3A_62 : memref<128x64xf32, #tpu.memory_space<vmem>>)
      %dma_wait3A_68 = arith.constant 256 : i32
      %dma_wait3A_69 = arith.constant 0 : i32
      %dma_wait3A_70 = tpu.memref_slice %arg6[%dma_wait3A_68, %dma_wait3A_69] : memref<640x64xf32, #tpu.memory_space<vmem>> -> memref<128x64xf32, #tpu.memory_space<vmem>>
      %dma_wait3A_71 = arith.constant 256 : i32
      %dma_wait3A_72 = tpu.memref_slice %arg5[%dma_wait3A_71] : memref<640xi32, #tpu.memory_space<vmem>> -> memref<128xi32, #tpu.memory_space<vmem>>
      %dma_wait3A_73 = arith.constant 0 : i32
      %dma_wait3A_74 = arith.constant 0 : i32
      %dma_wait3A_75 = tpu.memref_slice %arg2[%dma_wait3A_73, %dma_wait3A_74] : memref<110000x64xf32, #tpu.memory_space<hbm>> -> memref<110000x64xf32, #tpu.memory_space<hbm>>
      tpu.wait_indirect_dma semaphore(%arg7 : memref<!tpu.dma_semaphore, #tpu.memory_space<semaphore_mem>>) src(%dma_wait3A_75 : memref<110000x64xf32, #tpu.memory_space<hbm>>) dst(%dma_wait3A_70 : memref<128x64xf32, #tpu.memory_space<vmem>>)
      %dma_wait3A_76 = arith.constant 384 : i32
      %dma_wait3A_77 = arith.constant 0 : i32
      %dma_wait3A_78 = tpu.memref_slice %arg6[%dma_wait3A_76, %dma_wait3A_77] : memref<640x64xf32, #tpu.memory_space<vmem>> -> memref<128x64xf32, #tpu.memory_space<vmem>>
      %dma_wait3A_79 = arith.constant 384 : i32
      %dma_wait3A_80 = tpu.memref_slice %arg5[%dma_wait3A_79] : memref<640xi32, #tpu.memory_space<vmem>> -> memref<128xi32, #tpu.memory_space<vmem>>
      %dma_wait3A_81 = arith.constant 0 : i32
      %dma_wait3A_82 = arith.constant 0 : i32
      %dma_wait3A_83 = tpu.memref_slice %arg2[%dma_wait3A_81, %dma_wait3A_82] : memref<110000x64xf32, #tpu.memory_space<hbm>> -> memref<110000x64xf32, #tpu.memory_space<hbm>>
      tpu.wait_indirect_dma semaphore(%arg7 : memref<!tpu.dma_semaphore, #tpu.memory_space<semaphore_mem>>) src(%dma_wait3A_83 : memref<110000x64xf32, #tpu.memory_space<hbm>>) dst(%dma_wait3A_78 : memref<128x64xf32, #tpu.memory_space<vmem>>)
      %dma_wait3A_84 = arith.constant 512 : i32
      %dma_wait3A_85 = arith.constant 0 : i32
      %dma_wait3A_86 = tpu.memref_slice %arg6[%dma_wait3A_84, %dma_wait3A_85] : memref<640x64xf32, #tpu.memory_space<vmem>> -> memref<128x64xf32, #tpu.memory_space<vmem>>
      %dma_wait3A_87 = arith.constant 512 : i32
      %dma_wait3A_88 = tpu.memref_slice %arg5[%dma_wait3A_87] : memref<640xi32, #tpu.memory_space<vmem>> -> memref<128xi32, #tpu.memory_space<vmem>>
      %dma_wait3A_89 = arith.constant 0 : i32
      %dma_wait3A_90 = arith.constant 0 : i32
      %dma_wait3A_91 = tpu.memref_slice %arg2[%dma_wait3A_89, %dma_wait3A_90] : memref<110000x64xf32, #tpu.memory_space<hbm>> -> memref<110000x64xf32, #tpu.memory_space<hbm>>
      tpu.wait_indirect_dma semaphore(%arg7 : memref<!tpu.dma_semaphore, #tpu.memory_space<semaphore_mem>>) src(%dma_wait3A_91 : memref<110000x64xf32, #tpu.memory_space<hbm>>) dst(%dma_wait3A_86 : memref<128x64xf32, #tpu.memory_space<vmem>>)
      "tpu.region"() ({
        %run_scoped3A = tpu.sem_alloc : memref<!tpu.dma_semaphore, #tpu.memory_space<semaphore_mem>>
        %dma_start3A_92 = arith.constant 0 : i32
        %dma_start3A_93 = tpu.memref_slice %arg4[%add3A_11, %dma_start3A_92] : memref<204800x64xf32, #tpu.memory_space<hbm>> -> memref<640x64xf32, #tpu.memory_space<hbm>>
        %dma_start3A_94 = arith.constant 0 : i32
        %dma_start3A_95 = tpu.memref_slice %arg4[%add3A_11, %dma_start3A_94] : memref<204800x64xf32, #tpu.memory_space<hbm>> -> memref<640x64xf32, #tpu.memory_space<hbm>>
        tpu.enqueue_dma source(%arg6 : memref<640x64xf32, #tpu.memory_space<vmem>>) target(%dma_start3A_95 : memref<640x64xf32, #tpu.memory_space<hbm>>) target_semaphore(%run_scoped3A : memref<!tpu.dma_semaphore, #tpu.memory_space<semaphore_mem>>)
        %dma_wait3A_96 = arith.constant 0 : i32
        %dma_wait3A_97 = tpu.memref_slice %arg4[%add3A_11, %dma_wait3A_96] : memref<204800x64xf32, #tpu.memory_space<hbm>> -> memref<640x64xf32, #tpu.memory_space<hbm>>
        %dma_wait3A_98 = arith.constant 0 : i32
        %dma_wait3A_99 = tpu.memref_slice %arg4[%add3A_11, %dma_wait3A_98] : memref<204800x64xf32, #tpu.memory_space<hbm>> -> memref<640x64xf32, #tpu.memory_space<hbm>>
        tpu.wait_dma2 semaphore(%run_scoped3A : memref<!tpu.dma_semaphore, #tpu.memory_space<semaphore_mem>>) src(%arg6 : memref<640x64xf32, #tpu.memory_space<vmem>>) dst(%dma_wait3A_99 : memref<640x64xf32, #tpu.memory_space<hbm>>)
        tpu.yield
      }) : () -> ()
    }
    %scan3A_7 = arith.constant 10 : i32
    return
  }
}

#map = affine_map<(d0, d1) -> (0, 0)>
#map1 = affine_map<(d0, d1) -> (0)>
module attributes {stable_mosaic.version = 14 : i64} {
  func.func @gather_k(%arg0: i32, %arg1: i32, %arg2: memref<110000x64xf32, #tpu.memory_space<hbm>>, %arg3: memref<819200xi32, #tpu.memory_space<hbm>>, %arg4: memref<204800x64xf32, #tpu.memory_space<hbm>>, %arg5: memref<640xi32, #tpu.memory_space<vmem>>, %arg6: memref<640x64xf32, #tpu.memory_space<vmem>>, %arg7: memref<!tpu.dma_semaphore, #tpu.memory_space<semaphore_mem>>) attributes {dimension_semantics = [#tpu.dimension_semantics<core_parallel>, #tpu.dimension_semantics<subcore_parallel>], iteration_bounds = array<i64: 2, 16>, scalar_prefetch = 0 : i64, scratch_operands = 3 : i64, tpu.core_type = #tpu.core_type<sc_vector_subcore>, window_params = [{transform_indices = #map}, {transform_indices = #map1}, {transform_indices = #map}]} {
    %mul3A = arith.constant 2 : i32
    %mul3A_0 = arith.muli %arg1, %mul3A : i32
    %add3A = arith.addi %mul3A_0, %arg0 : i32
    %mul3A_1 = arith.constant 6400 : i32
    %mul3A_2 = arith.muli %add3A, %mul3A_1 : i32
    %scan3A = arith.constant 0 : i32
    %scan3A_3 = arith.constant 0 : i32
    %scan3A_4 = arith.constant 10 : i32
    %scan3A_5 = arith.addi %scan3A_3, %scan3A_4 : i32
    %scan3A_6 = arith.constant 1 : i32
    scf.for %scan3A_8 = %scan3A_3 to %scan3A_5 step %scan3A_6  : i32 {
      %mul3A_9 = arith.constant 640 : i32
      %mul3A_10 = arith.muli %scan3A_8, %mul3A_9 : i32
      %add3A_11 = arith.addi %mul3A_2, %mul3A_10 : i32
      %add3A_12 = arith.constant 409600 : i32
      %add3A_13 = arith.addi %add3A_12, %add3A_11 : i32
      "tpu.region"() ({
        %run_scoped3A = tpu.sem_alloc : memref<!tpu.dma_semaphore, #tpu.memory_space<semaphore_mem>>
        %dma_start3A_92 = tpu.memref_slice %arg3[%add3A_13] : memref<819200xi32, #tpu.memory_space<hbm>> -> memref<640xi32, #tpu.memory_space<hbm>>
        %dma_start3A_93 = tpu.memref_slice %arg3[%add3A_13] : memref<819200xi32, #tpu.memory_space<hbm>> -> memref<640xi32, #tpu.memory_space<hbm>>
        tpu.enqueue_dma source(%dma_start3A_93 : memref<640xi32, #tpu.memory_space<hbm>>) target(%arg5 : memref<640xi32, #tpu.memory_space<vmem>>) target_semaphore(%run_scoped3A : memref<!tpu.dma_semaphore, #tpu.memory_space<semaphore_mem>>)
        %dma_wait3A_94 = tpu.memref_slice %arg3[%add3A_13] : memref<819200xi32, #tpu.memory_space<hbm>> -> memref<640xi32, #tpu.memory_space<hbm>>
        %dma_wait3A_95 = tpu.memref_slice %arg3[%add3A_13] : memref<819200xi32, #tpu.memory_space<hbm>> -> memref<640xi32, #tpu.memory_space<hbm>>
        tpu.wait_dma2 semaphore(%run_scoped3A : memref<!tpu.dma_semaphore, #tpu.memory_space<semaphore_mem>>) src(%dma_wait3A_95 : memref<640xi32, #tpu.memory_space<hbm>>) dst(%arg5 : memref<640xi32, #tpu.memory_space<vmem>>)
        tpu.yield
      }) : () -> ()
      %dma_start3A = arith.constant 0 : i32
      %dma_start3A_14 = arith.constant 0 : i32
      %dma_start3A_15 = tpu.memref_slice %arg6[%dma_start3A, %dma_start3A_14] : memref<640x64xf32, #tpu.memory_space<vmem>> -> memref<128x64xf32, #tpu.memory_space<vmem>>
      %dma_start3A_16 = arith.constant 0 : i32
      %dma_start3A_17 = tpu.memref_slice %arg5[%dma_start3A_16] : memref<640xi32, #tpu.memory_space<vmem>> -> memref<128xi32, #tpu.memory_space<vmem>>
      %dma_start3A_18 = arith.constant 0 : i32
      %dma_start3A_19 = arith.constant 0 : i32
      %dma_start3A_20 = tpu.memref_slice %arg2[%dma_start3A_18, %dma_start3A_19] : memref<110000x64xf32, #tpu.memory_space<hbm>> -> memref<110000x64xf32, #tpu.memory_space<hbm>>
      tpu.enqueue_indirect_dma source(%dma_start3A_20 : memref<110000x64xf32, #tpu.memory_space<hbm>>) target(%dma_start3A_15 : memref<128x64xf32, #tpu.memory_space<vmem>>) offsets(%dma_start3A_17 : memref<128xi32, #tpu.memory_space<vmem>>) semaphore(%arg7 : memref<!tpu.dma_semaphore, #tpu.memory_space<semaphore_mem>>)
      %dma_start3A_21 = arith.constant 128 : i32
      %dma_start3A_22 = arith.constant 0 : i32
      %dma_start3A_23 = tpu.memref_slice %arg6[%dma_start3A_21, %dma_start3A_22] : memref<640x64xf32, #tpu.memory_space<vmem>> -> memref<128x64xf32, #tpu.memory_space<vmem>>
      %dma_start3A_24 = arith.constant 128 : i32
      %dma_start3A_25 = tpu.memref_slice %arg5[%dma_start3A_24] : memref<640xi32, #tpu.memory_space<vmem>> -> memref<128xi32, #tpu.memory_space<vmem>>
      %dma_start3A_26 = arith.constant 0 : i32
      %dma_start3A_27 = arith.constant 0 : i32
      %dma_start3A_28 = tpu.memref_slice %arg2[%dma_start3A_26, %dma_start3A_27] : memref<110000x64xf32, #tpu.memory_space<hbm>> -> memref<110000x64xf32, #tpu.memory_space<hbm>>
      tpu.enqueue_indirect_dma source(%dma_start3A_28 : memref<110000x64xf32, #tpu.memory_space<hbm>>) target(%dma_start3A_23 : memref<128x64xf32, #tpu.memory_space<vmem>>) offsets(%dma_start3A_25 : memref<128xi32, #tpu.memory_space<vmem>>) semaphore(%arg7 : memref<!tpu.dma_semaphore, #tpu.memory_space<semaphore_mem>>)
      %dma_start3A_29 = arith.constant 256 : i32
      %dma_start3A_30 = arith.constant 0 : i32
      %dma_start3A_31 = tpu.memref_slice %arg6[%dma_start3A_29, %dma_start3A_30] : memref<640x64xf32, #tpu.memory_space<vmem>> -> memref<128x64xf32, #tpu.memory_space<vmem>>
      %dma_start3A_32 = arith.constant 256 : i32
      %dma_start3A_33 = tpu.memref_slice %arg5[%dma_start3A_32] : memref<640xi32, #tpu.memory_space<vmem>> -> memref<128xi32, #tpu.memory_space<vmem>>
      %dma_start3A_34 = arith.constant 0 : i32
      %dma_start3A_35 = arith.constant 0 : i32
      %dma_start3A_36 = tpu.memref_slice %arg2[%dma_start3A_34, %dma_start3A_35] : memref<110000x64xf32, #tpu.memory_space<hbm>> -> memref<110000x64xf32, #tpu.memory_space<hbm>>
      tpu.enqueue_indirect_dma source(%dma_start3A_36 : memref<110000x64xf32, #tpu.memory_space<hbm>>) target(%dma_start3A_31 : memref<128x64xf32, #tpu.memory_space<vmem>>) offsets(%dma_start3A_33 : memref<128xi32, #tpu.memory_space<vmem>>) semaphore(%arg7 : memref<!tpu.dma_semaphore, #tpu.memory_space<semaphore_mem>>)
      %dma_start3A_37 = arith.constant 384 : i32
      %dma_start3A_38 = arith.constant 0 : i32
      %dma_start3A_39 = tpu.memref_slice %arg6[%dma_start3A_37, %dma_start3A_38] : memref<640x64xf32, #tpu.memory_space<vmem>> -> memref<128x64xf32, #tpu.memory_space<vmem>>
      %dma_start3A_40 = arith.constant 384 : i32
      %dma_start3A_41 = tpu.memref_slice %arg5[%dma_start3A_40] : memref<640xi32, #tpu.memory_space<vmem>> -> memref<128xi32, #tpu.memory_space<vmem>>
      %dma_start3A_42 = arith.constant 0 : i32
      %dma_start3A_43 = arith.constant 0 : i32
      %dma_start3A_44 = tpu.memref_slice %arg2[%dma_start3A_42, %dma_start3A_43] : memref<110000x64xf32, #tpu.memory_space<hbm>> -> memref<110000x64xf32, #tpu.memory_space<hbm>>
      tpu.enqueue_indirect_dma source(%dma_start3A_44 : memref<110000x64xf32, #tpu.memory_space<hbm>>) target(%dma_start3A_39 : memref<128x64xf32, #tpu.memory_space<vmem>>) offsets(%dma_start3A_41 : memref<128xi32, #tpu.memory_space<vmem>>) semaphore(%arg7 : memref<!tpu.dma_semaphore, #tpu.memory_space<semaphore_mem>>)
      %dma_start3A_45 = arith.constant 512 : i32
      %dma_start3A_46 = arith.constant 0 : i32
      %dma_start3A_47 = tpu.memref_slice %arg6[%dma_start3A_45, %dma_start3A_46] : memref<640x64xf32, #tpu.memory_space<vmem>> -> memref<128x64xf32, #tpu.memory_space<vmem>>
      %dma_start3A_48 = arith.constant 512 : i32
      %dma_start3A_49 = tpu.memref_slice %arg5[%dma_start3A_48] : memref<640xi32, #tpu.memory_space<vmem>> -> memref<128xi32, #tpu.memory_space<vmem>>
      %dma_start3A_50 = arith.constant 0 : i32
      %dma_start3A_51 = arith.constant 0 : i32
      %dma_start3A_52 = tpu.memref_slice %arg2[%dma_start3A_50, %dma_start3A_51] : memref<110000x64xf32, #tpu.memory_space<hbm>> -> memref<110000x64xf32, #tpu.memory_space<hbm>>
      tpu.enqueue_indirect_dma source(%dma_start3A_52 : memref<110000x64xf32, #tpu.memory_space<hbm>>) target(%dma_start3A_47 : memref<128x64xf32, #tpu.memory_space<vmem>>) offsets(%dma_start3A_49 : memref<128xi32, #tpu.memory_space<vmem>>) semaphore(%arg7 : memref<!tpu.dma_semaphore, #tpu.memory_space<semaphore_mem>>)
      %dma_wait3A = arith.constant 0 : i32
      %dma_wait3A_53 = arith.constant 0 : i32
      %dma_wait3A_54 = tpu.memref_slice %arg6[%dma_wait3A, %dma_wait3A_53] : memref<640x64xf32, #tpu.memory_space<vmem>> -> memref<128x64xf32, #tpu.memory_space<vmem>>
      %dma_wait3A_55 = arith.constant 0 : i32
      %dma_wait3A_56 = tpu.memref_slice %arg5[%dma_wait3A_55] : memref<640xi32, #tpu.memory_space<vmem>> -> memref<128xi32, #tpu.memory_space<vmem>>
      %dma_wait3A_57 = arith.constant 0 : i32
      %dma_wait3A_58 = arith.constant 0 : i32
      %dma_wait3A_59 = tpu.memref_slice %arg2[%dma_wait3A_57, %dma_wait3A_58] : memref<110000x64xf32, #tpu.memory_space<hbm>> -> memref<110000x64xf32, #tpu.memory_space<hbm>>
      tpu.wait_indirect_dma semaphore(%arg7 : memref<!tpu.dma_semaphore, #tpu.memory_space<semaphore_mem>>) src(%dma_wait3A_59 : memref<110000x64xf32, #tpu.memory_space<hbm>>) dst(%dma_wait3A_54 : memref<128x64xf32, #tpu.memory_space<vmem>>)
      %dma_wait3A_60 = arith.constant 128 : i32
      %dma_wait3A_61 = arith.constant 0 : i32
      %dma_wait3A_62 = tpu.memref_slice %arg6[%dma_wait3A_60, %dma_wait3A_61] : memref<640x64xf32, #tpu.memory_space<vmem>> -> memref<128x64xf32, #tpu.memory_space<vmem>>
      %dma_wait3A_63 = arith.constant 128 : i32
      %dma_wait3A_64 = tpu.memref_slice %arg5[%dma_wait3A_63] : memref<640xi32, #tpu.memory_space<vmem>> -> memref<128xi32, #tpu.memory_space<vmem>>
      %dma_wait3A_65 = arith.constant 0 : i32
      %dma_wait3A_66 = arith.constant 0 : i32
      %dma_wait3A_67 = tpu.memref_slice %arg2[%dma_wait3A_65, %dma_wait3A_66] : memref<110000x64xf32, #tpu.memory_space<hbm>> -> memref<110000x64xf32, #tpu.memory_space<hbm>>
      tpu.wait_indirect_dma semaphore(%arg7 : memref<!tpu.dma_semaphore, #tpu.memory_space<semaphore_mem>>) src(%dma_wait3A_67 : memref<110000x64xf32, #tpu.memory_space<hbm>>) dst(%dma_wait3A_62 : memref<128x64xf32, #tpu.memory_space<vmem>>)
      %dma_wait3A_68 = arith.constant 256 : i32
      %dma_wait3A_69 = arith.constant 0 : i32
      %dma_wait3A_70 = tpu.memref_slice %arg6[%dma_wait3A_68, %dma_wait3A_69] : memref<640x64xf32, #tpu.memory_space<vmem>> -> memref<128x64xf32, #tpu.memory_space<vmem>>
      %dma_wait3A_71 = arith.constant 256 : i32
      %dma_wait3A_72 = tpu.memref_slice %arg5[%dma_wait3A_71] : memref<640xi32, #tpu.memory_space<vmem>> -> memref<128xi32, #tpu.memory_space<vmem>>
      %dma_wait3A_73 = arith.constant 0 : i32
      %dma_wait3A_74 = arith.constant 0 : i32
      %dma_wait3A_75 = tpu.memref_slice %arg2[%dma_wait3A_73, %dma_wait3A_74] : memref<110000x64xf32, #tpu.memory_space<hbm>> -> memref<110000x64xf32, #tpu.memory_space<hbm>>
      tpu.wait_indirect_dma semaphore(%arg7 : memref<!tpu.dma_semaphore, #tpu.memory_space<semaphore_mem>>) src(%dma_wait3A_75 : memref<110000x64xf32, #tpu.memory_space<hbm>>) dst(%dma_wait3A_70 : memref<128x64xf32, #tpu.memory_space<vmem>>)
      %dma_wait3A_76 = arith.constant 384 : i32
      %dma_wait3A_77 = arith.constant 0 : i32
      %dma_wait3A_78 = tpu.memref_slice %arg6[%dma_wait3A_76, %dma_wait3A_77] : memref<640x64xf32, #tpu.memory_space<vmem>> -> memref<128x64xf32, #tpu.memory_space<vmem>>
      %dma_wait3A_79 = arith.constant 384 : i32
      %dma_wait3A_80 = tpu.memref_slice %arg5[%dma_wait3A_79] : memref<640xi32, #tpu.memory_space<vmem>> -> memref<128xi32, #tpu.memory_space<vmem>>
      %dma_wait3A_81 = arith.constant 0 : i32
      %dma_wait3A_82 = arith.constant 0 : i32
      %dma_wait3A_83 = tpu.memref_slice %arg2[%dma_wait3A_81, %dma_wait3A_82] : memref<110000x64xf32, #tpu.memory_space<hbm>> -> memref<110000x64xf32, #tpu.memory_space<hbm>>
      tpu.wait_indirect_dma semaphore(%arg7 : memref<!tpu.dma_semaphore, #tpu.memory_space<semaphore_mem>>) src(%dma_wait3A_83 : memref<110000x64xf32, #tpu.memory_space<hbm>>) dst(%dma_wait3A_78 : memref<128x64xf32, #tpu.memory_space<vmem>>)
      %dma_wait3A_84 = arith.constant 512 : i32
      %dma_wait3A_85 = arith.constant 0 : i32
      %dma_wait3A_86 = tpu.memref_slice %arg6[%dma_wait3A_84, %dma_wait3A_85] : memref<640x64xf32, #tpu.memory_space<vmem>> -> memref<128x64xf32, #tpu.memory_space<vmem>>
      %dma_wait3A_87 = arith.constant 512 : i32
      %dma_wait3A_88 = tpu.memref_slice %arg5[%dma_wait3A_87] : memref<640xi32, #tpu.memory_space<vmem>> -> memref<128xi32, #tpu.memory_space<vmem>>
      %dma_wait3A_89 = arith.constant 0 : i32
      %dma_wait3A_90 = arith.constant 0 : i32
      %dma_wait3A_91 = tpu.memref_slice %arg2[%dma_wait3A_89, %dma_wait3A_90] : memref<110000x64xf32, #tpu.memory_space<hbm>> -> memref<110000x64xf32, #tpu.memory_space<hbm>>
      tpu.wait_indirect_dma semaphore(%arg7 : memref<!tpu.dma_semaphore, #tpu.memory_space<semaphore_mem>>) src(%dma_wait3A_91 : memref<110000x64xf32, #tpu.memory_space<hbm>>) dst(%dma_wait3A_86 : memref<128x64xf32, #tpu.memory_space<vmem>>)
      "tpu.region"() ({
        %run_scoped3A = tpu.sem_alloc : memref<!tpu.dma_semaphore, #tpu.memory_space<semaphore_mem>>
        %dma_start3A_92 = arith.constant 0 : i32
        %dma_start3A_93 = tpu.memref_slice %arg4[%add3A_11, %dma_start3A_92] : memref<204800x64xf32, #tpu.memory_space<hbm>> -> memref<640x64xf32, #tpu.memory_space<hbm>>
        %dma_start3A_94 = arith.constant 0 : i32
        %dma_start3A_95 = tpu.memref_slice %arg4[%add3A_11, %dma_start3A_94] : memref<204800x64xf32, #tpu.memory_space<hbm>> -> memref<640x64xf32, #tpu.memory_space<hbm>>
        tpu.enqueue_dma source(%arg6 : memref<640x64xf32, #tpu.memory_space<vmem>>) target(%dma_start3A_95 : memref<640x64xf32, #tpu.memory_space<hbm>>) target_semaphore(%run_scoped3A : memref<!tpu.dma_semaphore, #tpu.memory_space<semaphore_mem>>)
        %dma_wait3A_96 = arith.constant 0 : i32
        %dma_wait3A_97 = tpu.memref_slice %arg4[%add3A_11, %dma_wait3A_96] : memref<204800x64xf32, #tpu.memory_space<hbm>> -> memref<640x64xf32, #tpu.memory_space<hbm>>
        %dma_wait3A_98 = arith.constant 0 : i32
        %dma_wait3A_99 = tpu.memref_slice %arg4[%add3A_11, %dma_wait3A_98] : memref<204800x64xf32, #tpu.memory_space<hbm>> -> memref<640x64xf32, #tpu.memory_space<hbm>>
        tpu.wait_dma2 semaphore(%run_scoped3A : memref<!tpu.dma_semaphore, #tpu.memory_space<semaphore_mem>>) src(%arg6 : memref<640x64xf32, #tpu.memory_space<vmem>>) dst(%dma_wait3A_99 : memref<640x64xf32, #tpu.memory_space<hbm>>)
        tpu.yield
      }) : () -> ()
    }
    %scan3A_7 = arith.constant 10 : i32
    return
  }
}

#map = affine_map<(d0, d1) -> (0, 0)>
#map1 = affine_map<(d0, d1) -> (0)>
module attributes {stable_mosaic.version = 14 : i64} {
  func.func @gather_k(%arg0: i32, %arg1: i32, %arg2: memref<110000x64xf32, #tpu.memory_space<hbm>>, %arg3: memref<819200xi32, #tpu.memory_space<hbm>>, %arg4: memref<204800x64xf32, #tpu.memory_space<hbm>>, %arg5: memref<640xi32, #tpu.memory_space<vmem>>, %arg6: memref<640x64xf32, #tpu.memory_space<vmem>>, %arg7: memref<!tpu.dma_semaphore, #tpu.memory_space<semaphore_mem>>) attributes {dimension_semantics = [#tpu.dimension_semantics<core_parallel>, #tpu.dimension_semantics<subcore_parallel>], iteration_bounds = array<i64: 2, 16>, scalar_prefetch = 0 : i64, scratch_operands = 3 : i64, tpu.core_type = #tpu.core_type<sc_vector_subcore>, window_params = [{transform_indices = #map}, {transform_indices = #map1}, {transform_indices = #map}]} {
    %mul3A = arith.constant 2 : i32
    %mul3A_0 = arith.muli %arg1, %mul3A : i32
    %add3A = arith.addi %mul3A_0, %arg0 : i32
    %mul3A_1 = arith.constant 6400 : i32
    %mul3A_2 = arith.muli %add3A, %mul3A_1 : i32
    %scan3A = arith.constant 0 : i32
    %scan3A_3 = arith.constant 0 : i32
    %scan3A_4 = arith.constant 10 : i32
    %scan3A_5 = arith.addi %scan3A_3, %scan3A_4 : i32
    %scan3A_6 = arith.constant 1 : i32
    scf.for %scan3A_8 = %scan3A_3 to %scan3A_5 step %scan3A_6  : i32 {
      %mul3A_9 = arith.constant 640 : i32
      %mul3A_10 = arith.muli %scan3A_8, %mul3A_9 : i32
      %add3A_11 = arith.addi %mul3A_2, %mul3A_10 : i32
      %add3A_12 = arith.constant 204800 : i32
      %add3A_13 = arith.addi %add3A_12, %add3A_11 : i32
      "tpu.region"() ({
        %run_scoped3A = tpu.sem_alloc : memref<!tpu.dma_semaphore, #tpu.memory_space<semaphore_mem>>
        %dma_start3A_92 = tpu.memref_slice %arg3[%add3A_13] : memref<819200xi32, #tpu.memory_space<hbm>> -> memref<640xi32, #tpu.memory_space<hbm>>
        %dma_start3A_93 = tpu.memref_slice %arg3[%add3A_13] : memref<819200xi32, #tpu.memory_space<hbm>> -> memref<640xi32, #tpu.memory_space<hbm>>
        tpu.enqueue_dma source(%dma_start3A_93 : memref<640xi32, #tpu.memory_space<hbm>>) target(%arg5 : memref<640xi32, #tpu.memory_space<vmem>>) target_semaphore(%run_scoped3A : memref<!tpu.dma_semaphore, #tpu.memory_space<semaphore_mem>>)
        %dma_wait3A_94 = tpu.memref_slice %arg3[%add3A_13] : memref<819200xi32, #tpu.memory_space<hbm>> -> memref<640xi32, #tpu.memory_space<hbm>>
        %dma_wait3A_95 = tpu.memref_slice %arg3[%add3A_13] : memref<819200xi32, #tpu.memory_space<hbm>> -> memref<640xi32, #tpu.memory_space<hbm>>
        tpu.wait_dma2 semaphore(%run_scoped3A : memref<!tpu.dma_semaphore, #tpu.memory_space<semaphore_mem>>) src(%dma_wait3A_95 : memref<640xi32, #tpu.memory_space<hbm>>) dst(%arg5 : memref<640xi32, #tpu.memory_space<vmem>>)
        tpu.yield
      }) : () -> ()
      %dma_start3A = arith.constant 0 : i32
      %dma_start3A_14 = arith.constant 0 : i32
      %dma_start3A_15 = tpu.memref_slice %arg6[%dma_start3A, %dma_start3A_14] : memref<640x64xf32, #tpu.memory_space<vmem>> -> memref<128x64xf32, #tpu.memory_space<vmem>>
      %dma_start3A_16 = arith.constant 0 : i32
      %dma_start3A_17 = tpu.memref_slice %arg5[%dma_start3A_16] : memref<640xi32, #tpu.memory_space<vmem>> -> memref<128xi32, #tpu.memory_space<vmem>>
      %dma_start3A_18 = arith.constant 0 : i32
      %dma_start3A_19 = arith.constant 0 : i32
      %dma_start3A_20 = tpu.memref_slice %arg2[%dma_start3A_18, %dma_start3A_19] : memref<110000x64xf32, #tpu.memory_space<hbm>> -> memref<110000x64xf32, #tpu.memory_space<hbm>>
      tpu.enqueue_indirect_dma source(%dma_start3A_20 : memref<110000x64xf32, #tpu.memory_space<hbm>>) target(%dma_start3A_15 : memref<128x64xf32, #tpu.memory_space<vmem>>) offsets(%dma_start3A_17 : memref<128xi32, #tpu.memory_space<vmem>>) semaphore(%arg7 : memref<!tpu.dma_semaphore, #tpu.memory_space<semaphore_mem>>)
      %dma_start3A_21 = arith.constant 128 : i32
      %dma_start3A_22 = arith.constant 0 : i32
      %dma_start3A_23 = tpu.memref_slice %arg6[%dma_start3A_21, %dma_start3A_22] : memref<640x64xf32, #tpu.memory_space<vmem>> -> memref<128x64xf32, #tpu.memory_space<vmem>>
      %dma_start3A_24 = arith.constant 128 : i32
      %dma_start3A_25 = tpu.memref_slice %arg5[%dma_start3A_24] : memref<640xi32, #tpu.memory_space<vmem>> -> memref<128xi32, #tpu.memory_space<vmem>>
      %dma_start3A_26 = arith.constant 0 : i32
      %dma_start3A_27 = arith.constant 0 : i32
      %dma_start3A_28 = tpu.memref_slice %arg2[%dma_start3A_26, %dma_start3A_27] : memref<110000x64xf32, #tpu.memory_space<hbm>> -> memref<110000x64xf32, #tpu.memory_space<hbm>>
      tpu.enqueue_indirect_dma source(%dma_start3A_28 : memref<110000x64xf32, #tpu.memory_space<hbm>>) target(%dma_start3A_23 : memref<128x64xf32, #tpu.memory_space<vmem>>) offsets(%dma_start3A_25 : memref<128xi32, #tpu.memory_space<vmem>>) semaphore(%arg7 : memref<!tpu.dma_semaphore, #tpu.memory_space<semaphore_mem>>)
      %dma_start3A_29 = arith.constant 256 : i32
      %dma_start3A_30 = arith.constant 0 : i32
      %dma_start3A_31 = tpu.memref_slice %arg6[%dma_start3A_29, %dma_start3A_30] : memref<640x64xf32, #tpu.memory_space<vmem>> -> memref<128x64xf32, #tpu.memory_space<vmem>>
      %dma_start3A_32 = arith.constant 256 : i32
      %dma_start3A_33 = tpu.memref_slice %arg5[%dma_start3A_32] : memref<640xi32, #tpu.memory_space<vmem>> -> memref<128xi32, #tpu.memory_space<vmem>>
      %dma_start3A_34 = arith.constant 0 : i32
      %dma_start3A_35 = arith.constant 0 : i32
      %dma_start3A_36 = tpu.memref_slice %arg2[%dma_start3A_34, %dma_start3A_35] : memref<110000x64xf32, #tpu.memory_space<hbm>> -> memref<110000x64xf32, #tpu.memory_space<hbm>>
      tpu.enqueue_indirect_dma source(%dma_start3A_36 : memref<110000x64xf32, #tpu.memory_space<hbm>>) target(%dma_start3A_31 : memref<128x64xf32, #tpu.memory_space<vmem>>) offsets(%dma_start3A_33 : memref<128xi32, #tpu.memory_space<vmem>>) semaphore(%arg7 : memref<!tpu.dma_semaphore, #tpu.memory_space<semaphore_mem>>)
      %dma_start3A_37 = arith.constant 384 : i32
      %dma_start3A_38 = arith.constant 0 : i32
      %dma_start3A_39 = tpu.memref_slice %arg6[%dma_start3A_37, %dma_start3A_38] : memref<640x64xf32, #tpu.memory_space<vmem>> -> memref<128x64xf32, #tpu.memory_space<vmem>>
      %dma_start3A_40 = arith.constant 384 : i32
      %dma_start3A_41 = tpu.memref_slice %arg5[%dma_start3A_40] : memref<640xi32, #tpu.memory_space<vmem>> -> memref<128xi32, #tpu.memory_space<vmem>>
      %dma_start3A_42 = arith.constant 0 : i32
      %dma_start3A_43 = arith.constant 0 : i32
      %dma_start3A_44 = tpu.memref_slice %arg2[%dma_start3A_42, %dma_start3A_43] : memref<110000x64xf32, #tpu.memory_space<hbm>> -> memref<110000x64xf32, #tpu.memory_space<hbm>>
      tpu.enqueue_indirect_dma source(%dma_start3A_44 : memref<110000x64xf32, #tpu.memory_space<hbm>>) target(%dma_start3A_39 : memref<128x64xf32, #tpu.memory_space<vmem>>) offsets(%dma_start3A_41 : memref<128xi32, #tpu.memory_space<vmem>>) semaphore(%arg7 : memref<!tpu.dma_semaphore, #tpu.memory_space<semaphore_mem>>)
      %dma_start3A_45 = arith.constant 512 : i32
      %dma_start3A_46 = arith.constant 0 : i32
      %dma_start3A_47 = tpu.memref_slice %arg6[%dma_start3A_45, %dma_start3A_46] : memref<640x64xf32, #tpu.memory_space<vmem>> -> memref<128x64xf32, #tpu.memory_space<vmem>>
      %dma_start3A_48 = arith.constant 512 : i32
      %dma_start3A_49 = tpu.memref_slice %arg5[%dma_start3A_48] : memref<640xi32, #tpu.memory_space<vmem>> -> memref<128xi32, #tpu.memory_space<vmem>>
      %dma_start3A_50 = arith.constant 0 : i32
      %dma_start3A_51 = arith.constant 0 : i32
      %dma_start3A_52 = tpu.memref_slice %arg2[%dma_start3A_50, %dma_start3A_51] : memref<110000x64xf32, #tpu.memory_space<hbm>> -> memref<110000x64xf32, #tpu.memory_space<hbm>>
      tpu.enqueue_indirect_dma source(%dma_start3A_52 : memref<110000x64xf32, #tpu.memory_space<hbm>>) target(%dma_start3A_47 : memref<128x64xf32, #tpu.memory_space<vmem>>) offsets(%dma_start3A_49 : memref<128xi32, #tpu.memory_space<vmem>>) semaphore(%arg7 : memref<!tpu.dma_semaphore, #tpu.memory_space<semaphore_mem>>)
      %dma_wait3A = arith.constant 0 : i32
      %dma_wait3A_53 = arith.constant 0 : i32
      %dma_wait3A_54 = tpu.memref_slice %arg6[%dma_wait3A, %dma_wait3A_53] : memref<640x64xf32, #tpu.memory_space<vmem>> -> memref<128x64xf32, #tpu.memory_space<vmem>>
      %dma_wait3A_55 = arith.constant 0 : i32
      %dma_wait3A_56 = tpu.memref_slice %arg5[%dma_wait3A_55] : memref<640xi32, #tpu.memory_space<vmem>> -> memref<128xi32, #tpu.memory_space<vmem>>
      %dma_wait3A_57 = arith.constant 0 : i32
      %dma_wait3A_58 = arith.constant 0 : i32
      %dma_wait3A_59 = tpu.memref_slice %arg2[%dma_wait3A_57, %dma_wait3A_58] : memref<110000x64xf32, #tpu.memory_space<hbm>> -> memref<110000x64xf32, #tpu.memory_space<hbm>>
      tpu.wait_indirect_dma semaphore(%arg7 : memref<!tpu.dma_semaphore, #tpu.memory_space<semaphore_mem>>) src(%dma_wait3A_59 : memref<110000x64xf32, #tpu.memory_space<hbm>>) dst(%dma_wait3A_54 : memref<128x64xf32, #tpu.memory_space<vmem>>)
      %dma_wait3A_60 = arith.constant 128 : i32
      %dma_wait3A_61 = arith.constant 0 : i32
      %dma_wait3A_62 = tpu.memref_slice %arg6[%dma_wait3A_60, %dma_wait3A_61] : memref<640x64xf32, #tpu.memory_space<vmem>> -> memref<128x64xf32, #tpu.memory_space<vmem>>
      %dma_wait3A_63 = arith.constant 128 : i32
      %dma_wait3A_64 = tpu.memref_slice %arg5[%dma_wait3A_63] : memref<640xi32, #tpu.memory_space<vmem>> -> memref<128xi32, #tpu.memory_space<vmem>>
      %dma_wait3A_65 = arith.constant 0 : i32
      %dma_wait3A_66 = arith.constant 0 : i32
      %dma_wait3A_67 = tpu.memref_slice %arg2[%dma_wait3A_65, %dma_wait3A_66] : memref<110000x64xf32, #tpu.memory_space<hbm>> -> memref<110000x64xf32, #tpu.memory_space<hbm>>
      tpu.wait_indirect_dma semaphore(%arg7 : memref<!tpu.dma_semaphore, #tpu.memory_space<semaphore_mem>>) src(%dma_wait3A_67 : memref<110000x64xf32, #tpu.memory_space<hbm>>) dst(%dma_wait3A_62 : memref<128x64xf32, #tpu.memory_space<vmem>>)
      %dma_wait3A_68 = arith.constant 256 : i32
      %dma_wait3A_69 = arith.constant 0 : i32
      %dma_wait3A_70 = tpu.memref_slice %arg6[%dma_wait3A_68, %dma_wait3A_69] : memref<640x64xf32, #tpu.memory_space<vmem>> -> memref<128x64xf32, #tpu.memory_space<vmem>>
      %dma_wait3A_71 = arith.constant 256 : i32
      %dma_wait3A_72 = tpu.memref_slice %arg5[%dma_wait3A_71] : memref<640xi32, #tpu.memory_space<vmem>> -> memref<128xi32, #tpu.memory_space<vmem>>
      %dma_wait3A_73 = arith.constant 0 : i32
      %dma_wait3A_74 = arith.constant 0 : i32
      %dma_wait3A_75 = tpu.memref_slice %arg2[%dma_wait3A_73, %dma_wait3A_74] : memref<110000x64xf32, #tpu.memory_space<hbm>> -> memref<110000x64xf32, #tpu.memory_space<hbm>>
      tpu.wait_indirect_dma semaphore(%arg7 : memref<!tpu.dma_semaphore, #tpu.memory_space<semaphore_mem>>) src(%dma_wait3A_75 : memref<110000x64xf32, #tpu.memory_space<hbm>>) dst(%dma_wait3A_70 : memref<128x64xf32, #tpu.memory_space<vmem>>)
      %dma_wait3A_76 = arith.constant 384 : i32
      %dma_wait3A_77 = arith.constant 0 : i32
      %dma_wait3A_78 = tpu.memref_slice %arg6[%dma_wait3A_76, %dma_wait3A_77] : memref<640x64xf32, #tpu.memory_space<vmem>> -> memref<128x64xf32, #tpu.memory_space<vmem>>
      %dma_wait3A_79 = arith.constant 384 : i32
      %dma_wait3A_80 = tpu.memref_slice %arg5[%dma_wait3A_79] : memref<640xi32, #tpu.memory_space<vmem>> -> memref<128xi32, #tpu.memory_space<vmem>>
      %dma_wait3A_81 = arith.constant 0 : i32
      %dma_wait3A_82 = arith.constant 0 : i32
      %dma_wait3A_83 = tpu.memref_slice %arg2[%dma_wait3A_81, %dma_wait3A_82] : memref<110000x64xf32, #tpu.memory_space<hbm>> -> memref<110000x64xf32, #tpu.memory_space<hbm>>
      tpu.wait_indirect_dma semaphore(%arg7 : memref<!tpu.dma_semaphore, #tpu.memory_space<semaphore_mem>>) src(%dma_wait3A_83 : memref<110000x64xf32, #tpu.memory_space<hbm>>) dst(%dma_wait3A_78 : memref<128x64xf32, #tpu.memory_space<vmem>>)
      %dma_wait3A_84 = arith.constant 512 : i32
      %dma_wait3A_85 = arith.constant 0 : i32
      %dma_wait3A_86 = tpu.memref_slice %arg6[%dma_wait3A_84, %dma_wait3A_85] : memref<640x64xf32, #tpu.memory_space<vmem>> -> memref<128x64xf32, #tpu.memory_space<vmem>>
      %dma_wait3A_87 = arith.constant 512 : i32
      %dma_wait3A_88 = tpu.memref_slice %arg5[%dma_wait3A_87] : memref<640xi32, #tpu.memory_space<vmem>> -> memref<128xi32, #tpu.memory_space<vmem>>
      %dma_wait3A_89 = arith.constant 0 : i32
      %dma_wait3A_90 = arith.constant 0 : i32
      %dma_wait3A_91 = tpu.memref_slice %arg2[%dma_wait3A_89, %dma_wait3A_90] : memref<110000x64xf32, #tpu.memory_space<hbm>> -> memref<110000x64xf32, #tpu.memory_space<hbm>>
      tpu.wait_indirect_dma semaphore(%arg7 : memref<!tpu.dma_semaphore, #tpu.memory_space<semaphore_mem>>) src(%dma_wait3A_91 : memref<110000x64xf32, #tpu.memory_space<hbm>>) dst(%dma_wait3A_86 : memref<128x64xf32, #tpu.memory_space<vmem>>)
      "tpu.region"() ({
        %run_scoped3A = tpu.sem_alloc : memref<!tpu.dma_semaphore, #tpu.memory_space<semaphore_mem>>
        %dma_start3A_92 = arith.constant 0 : i32
        %dma_start3A_93 = tpu.memref_slice %arg4[%add3A_11, %dma_start3A_92] : memref<204800x64xf32, #tpu.memory_space<hbm>> -> memref<640x64xf32, #tpu.memory_space<hbm>>
        %dma_start3A_94 = arith.constant 0 : i32
        %dma_start3A_95 = tpu.memref_slice %arg4[%add3A_11, %dma_start3A_94] : memref<204800x64xf32, #tpu.memory_space<hbm>> -> memref<640x64xf32, #tpu.memory_space<hbm>>
        tpu.enqueue_dma source(%arg6 : memref<640x64xf32, #tpu.memory_space<vmem>>) target(%dma_start3A_95 : memref<640x64xf32, #tpu.memory_space<hbm>>) target_semaphore(%run_scoped3A : memref<!tpu.dma_semaphore, #tpu.memory_space<semaphore_mem>>)
        %dma_wait3A_96 = arith.constant 0 : i32
        %dma_wait3A_97 = tpu.memref_slice %arg4[%add3A_11, %dma_wait3A_96] : memref<204800x64xf32, #tpu.memory_space<hbm>> -> memref<640x64xf32, #tpu.memory_space<hbm>>
        %dma_wait3A_98 = arith.constant 0 : i32
        %dma_wait3A_99 = tpu.memref_slice %arg4[%add3A_11, %dma_wait3A_98] : memref<204800x64xf32, #tpu.memory_space<hbm>> -> memref<640x64xf32, #tpu.memory_space<hbm>>
        tpu.wait_dma2 semaphore(%run_scoped3A : memref<!tpu.dma_semaphore, #tpu.memory_space<semaphore_mem>>) src(%arg6 : memref<640x64xf32, #tpu.memory_space<vmem>>) dst(%dma_wait3A_99 : memref<640x64xf32, #tpu.memory_space<hbm>>)
        tpu.yield
      }) : () -> ()
    }
    %scan3A_7 = arith.constant 10 : i32
    return
  }
}

#map = affine_map<(d0, d1) -> (0, 0)>
#map1 = affine_map<(d0, d1) -> (0)>
module attributes {stable_mosaic.version = 14 : i64} {
  func.func @gather_k(%arg0: i32, %arg1: i32, %arg2: memref<110000x64xf32, #tpu.memory_space<hbm>>, %arg3: memref<819200xi32, #tpu.memory_space<hbm>>, %arg4: memref<204800x64xf32, #tpu.memory_space<hbm>>, %arg5: memref<640xi32, #tpu.memory_space<vmem>>, %arg6: memref<640x64xf32, #tpu.memory_space<vmem>>, %arg7: memref<!tpu.dma_semaphore, #tpu.memory_space<semaphore_mem>>) attributes {dimension_semantics = [#tpu.dimension_semantics<core_parallel>, #tpu.dimension_semantics<subcore_parallel>], iteration_bounds = array<i64: 2, 16>, scalar_prefetch = 0 : i64, scratch_operands = 3 : i64, tpu.core_type = #tpu.core_type<sc_vector_subcore>, window_params = [{transform_indices = #map}, {transform_indices = #map1}, {transform_indices = #map}]} {
    %mul3A = arith.constant 2 : i32
    %mul3A_0 = arith.muli %arg1, %mul3A : i32
    %add3A = arith.addi %mul3A_0, %arg0 : i32
    %mul3A_1 = arith.constant 6400 : i32
    %mul3A_2 = arith.muli %add3A, %mul3A_1 : i32
    %scan3A = arith.constant 0 : i32
    %scan3A_3 = arith.constant 0 : i32
    %scan3A_4 = arith.constant 10 : i32
    %scan3A_5 = arith.addi %scan3A_3, %scan3A_4 : i32
    %scan3A_6 = arith.constant 1 : i32
    scf.for %scan3A_8 = %scan3A_3 to %scan3A_5 step %scan3A_6  : i32 {
      %mul3A_9 = arith.constant 640 : i32
      %mul3A_10 = arith.muli %scan3A_8, %mul3A_9 : i32
      %add3A_11 = arith.addi %mul3A_2, %mul3A_10 : i32
      %add3A_12 = arith.constant 0 : i32
      %add3A_13 = arith.addi %add3A_12, %add3A_11 : i32
      "tpu.region"() ({
        %run_scoped3A = tpu.sem_alloc : memref<!tpu.dma_semaphore, #tpu.memory_space<semaphore_mem>>
        %dma_start3A_92 = tpu.memref_slice %arg3[%add3A_13] : memref<819200xi32, #tpu.memory_space<hbm>> -> memref<640xi32, #tpu.memory_space<hbm>>
        %dma_start3A_93 = tpu.memref_slice %arg3[%add3A_13] : memref<819200xi32, #tpu.memory_space<hbm>> -> memref<640xi32, #tpu.memory_space<hbm>>
        tpu.enqueue_dma source(%dma_start3A_93 : memref<640xi32, #tpu.memory_space<hbm>>) target(%arg5 : memref<640xi32, #tpu.memory_space<vmem>>) target_semaphore(%run_scoped3A : memref<!tpu.dma_semaphore, #tpu.memory_space<semaphore_mem>>)
        %dma_wait3A_94 = tpu.memref_slice %arg3[%add3A_13] : memref<819200xi32, #tpu.memory_space<hbm>> -> memref<640xi32, #tpu.memory_space<hbm>>
        %dma_wait3A_95 = tpu.memref_slice %arg3[%add3A_13] : memref<819200xi32, #tpu.memory_space<hbm>> -> memref<640xi32, #tpu.memory_space<hbm>>
        tpu.wait_dma2 semaphore(%run_scoped3A : memref<!tpu.dma_semaphore, #tpu.memory_space<semaphore_mem>>) src(%dma_wait3A_95 : memref<640xi32, #tpu.memory_space<hbm>>) dst(%arg5 : memref<640xi32, #tpu.memory_space<vmem>>)
        tpu.yield
      }) : () -> ()
      %dma_start3A = arith.constant 0 : i32
      %dma_start3A_14 = arith.constant 0 : i32
      %dma_start3A_15 = tpu.memref_slice %arg6[%dma_start3A, %dma_start3A_14] : memref<640x64xf32, #tpu.memory_space<vmem>> -> memref<128x64xf32, #tpu.memory_space<vmem>>
      %dma_start3A_16 = arith.constant 0 : i32
      %dma_start3A_17 = tpu.memref_slice %arg5[%dma_start3A_16] : memref<640xi32, #tpu.memory_space<vmem>> -> memref<128xi32, #tpu.memory_space<vmem>>
      %dma_start3A_18 = arith.constant 0 : i32
      %dma_start3A_19 = arith.constant 0 : i32
      %dma_start3A_20 = tpu.memref_slice %arg2[%dma_start3A_18, %dma_start3A_19] : memref<110000x64xf32, #tpu.memory_space<hbm>> -> memref<110000x64xf32, #tpu.memory_space<hbm>>
      tpu.enqueue_indirect_dma source(%dma_start3A_20 : memref<110000x64xf32, #tpu.memory_space<hbm>>) target(%dma_start3A_15 : memref<128x64xf32, #tpu.memory_space<vmem>>) offsets(%dma_start3A_17 : memref<128xi32, #tpu.memory_space<vmem>>) semaphore(%arg7 : memref<!tpu.dma_semaphore, #tpu.memory_space<semaphore_mem>>)
      %dma_start3A_21 = arith.constant 128 : i32
      %dma_start3A_22 = arith.constant 0 : i32
      %dma_start3A_23 = tpu.memref_slice %arg6[%dma_start3A_21, %dma_start3A_22] : memref<640x64xf32, #tpu.memory_space<vmem>> -> memref<128x64xf32, #tpu.memory_space<vmem>>
      %dma_start3A_24 = arith.constant 128 : i32
      %dma_start3A_25 = tpu.memref_slice %arg5[%dma_start3A_24] : memref<640xi32, #tpu.memory_space<vmem>> -> memref<128xi32, #tpu.memory_space<vmem>>
      %dma_start3A_26 = arith.constant 0 : i32
      %dma_start3A_27 = arith.constant 0 : i32
      %dma_start3A_28 = tpu.memref_slice %arg2[%dma_start3A_26, %dma_start3A_27] : memref<110000x64xf32, #tpu.memory_space<hbm>> -> memref<110000x64xf32, #tpu.memory_space<hbm>>
      tpu.enqueue_indirect_dma source(%dma_start3A_28 : memref<110000x64xf32, #tpu.memory_space<hbm>>) target(%dma_start3A_23 : memref<128x64xf32, #tpu.memory_space<vmem>>) offsets(%dma_start3A_25 : memref<128xi32, #tpu.memory_space<vmem>>) semaphore(%arg7 : memref<!tpu.dma_semaphore, #tpu.memory_space<semaphore_mem>>)
      %dma_start3A_29 = arith.constant 256 : i32
      %dma_start3A_30 = arith.constant 0 : i32
      %dma_start3A_31 = tpu.memref_slice %arg6[%dma_start3A_29, %dma_start3A_30] : memref<640x64xf32, #tpu.memory_space<vmem>> -> memref<128x64xf32, #tpu.memory_space<vmem>>
      %dma_start3A_32 = arith.constant 256 : i32
      %dma_start3A_33 = tpu.memref_slice %arg5[%dma_start3A_32] : memref<640xi32, #tpu.memory_space<vmem>> -> memref<128xi32, #tpu.memory_space<vmem>>
      %dma_start3A_34 = arith.constant 0 : i32
      %dma_start3A_35 = arith.constant 0 : i32
      %dma_start3A_36 = tpu.memref_slice %arg2[%dma_start3A_34, %dma_start3A_35] : memref<110000x64xf32, #tpu.memory_space<hbm>> -> memref<110000x64xf32, #tpu.memory_space<hbm>>
      tpu.enqueue_indirect_dma source(%dma_start3A_36 : memref<110000x64xf32, #tpu.memory_space<hbm>>) target(%dma_start3A_31 : memref<128x64xf32, #tpu.memory_space<vmem>>) offsets(%dma_start3A_33 : memref<128xi32, #tpu.memory_space<vmem>>) semaphore(%arg7 : memref<!tpu.dma_semaphore, #tpu.memory_space<semaphore_mem>>)
      %dma_start3A_37 = arith.constant 384 : i32
      %dma_start3A_38 = arith.constant 0 : i32
      %dma_start3A_39 = tpu.memref_slice %arg6[%dma_start3A_37, %dma_start3A_38] : memref<640x64xf32, #tpu.memory_space<vmem>> -> memref<128x64xf32, #tpu.memory_space<vmem>>
      %dma_start3A_40 = arith.constant 384 : i32
      %dma_start3A_41 = tpu.memref_slice %arg5[%dma_start3A_40] : memref<640xi32, #tpu.memory_space<vmem>> -> memref<128xi32, #tpu.memory_space<vmem>>
      %dma_start3A_42 = arith.constant 0 : i32
      %dma_start3A_43 = arith.constant 0 : i32
      %dma_start3A_44 = tpu.memref_slice %arg2[%dma_start3A_42, %dma_start3A_43] : memref<110000x64xf32, #tpu.memory_space<hbm>> -> memref<110000x64xf32, #tpu.memory_space<hbm>>
      tpu.enqueue_indirect_dma source(%dma_start3A_44 : memref<110000x64xf32, #tpu.memory_space<hbm>>) target(%dma_start3A_39 : memref<128x64xf32, #tpu.memory_space<vmem>>) offsets(%dma_start3A_41 : memref<128xi32, #tpu.memory_space<vmem>>) semaphore(%arg7 : memref<!tpu.dma_semaphore, #tpu.memory_space<semaphore_mem>>)
      %dma_start3A_45 = arith.constant 512 : i32
      %dma_start3A_46 = arith.constant 0 : i32
      %dma_start3A_47 = tpu.memref_slice %arg6[%dma_start3A_45, %dma_start3A_46] : memref<640x64xf32, #tpu.memory_space<vmem>> -> memref<128x64xf32, #tpu.memory_space<vmem>>
      %dma_start3A_48 = arith.constant 512 : i32
      %dma_start3A_49 = tpu.memref_slice %arg5[%dma_start3A_48] : memref<640xi32, #tpu.memory_space<vmem>> -> memref<128xi32, #tpu.memory_space<vmem>>
      %dma_start3A_50 = arith.constant 0 : i32
      %dma_start3A_51 = arith.constant 0 : i32
      %dma_start3A_52 = tpu.memref_slice %arg2[%dma_start3A_50, %dma_start3A_51] : memref<110000x64xf32, #tpu.memory_space<hbm>> -> memref<110000x64xf32, #tpu.memory_space<hbm>>
      tpu.enqueue_indirect_dma source(%dma_start3A_52 : memref<110000x64xf32, #tpu.memory_space<hbm>>) target(%dma_start3A_47 : memref<128x64xf32, #tpu.memory_space<vmem>>) offsets(%dma_start3A_49 : memref<128xi32, #tpu.memory_space<vmem>>) semaphore(%arg7 : memref<!tpu.dma_semaphore, #tpu.memory_space<semaphore_mem>>)
      %dma_wait3A = arith.constant 0 : i32
      %dma_wait3A_53 = arith.constant 0 : i32
      %dma_wait3A_54 = tpu.memref_slice %arg6[%dma_wait3A, %dma_wait3A_53] : memref<640x64xf32, #tpu.memory_space<vmem>> -> memref<128x64xf32, #tpu.memory_space<vmem>>
      %dma_wait3A_55 = arith.constant 0 : i32
      %dma_wait3A_56 = tpu.memref_slice %arg5[%dma_wait3A_55] : memref<640xi32, #tpu.memory_space<vmem>> -> memref<128xi32, #tpu.memory_space<vmem>>
      %dma_wait3A_57 = arith.constant 0 : i32
      %dma_wait3A_58 = arith.constant 0 : i32
      %dma_wait3A_59 = tpu.memref_slice %arg2[%dma_wait3A_57, %dma_wait3A_58] : memref<110000x64xf32, #tpu.memory_space<hbm>> -> memref<110000x64xf32, #tpu.memory_space<hbm>>
      tpu.wait_indirect_dma semaphore(%arg7 : memref<!tpu.dma_semaphore, #tpu.memory_space<semaphore_mem>>) src(%dma_wait3A_59 : memref<110000x64xf32, #tpu.memory_space<hbm>>) dst(%dma_wait3A_54 : memref<128x64xf32, #tpu.memory_space<vmem>>)
      %dma_wait3A_60 = arith.constant 128 : i32
      %dma_wait3A_61 = arith.constant 0 : i32
      %dma_wait3A_62 = tpu.memref_slice %arg6[%dma_wait3A_60, %dma_wait3A_61] : memref<640x64xf32, #tpu.memory_space<vmem>> -> memref<128x64xf32, #tpu.memory_space<vmem>>
      %dma_wait3A_63 = arith.constant 128 : i32
      %dma_wait3A_64 = tpu.memref_slice %arg5[%dma_wait3A_63] : memref<640xi32, #tpu.memory_space<vmem>> -> memref<128xi32, #tpu.memory_space<vmem>>
      %dma_wait3A_65 = arith.constant 0 : i32
      %dma_wait3A_66 = arith.constant 0 : i32
      %dma_wait3A_67 = tpu.memref_slice %arg2[%dma_wait3A_65, %dma_wait3A_66] : memref<110000x64xf32, #tpu.memory_space<hbm>> -> memref<110000x64xf32, #tpu.memory_space<hbm>>
      tpu.wait_indirect_dma semaphore(%arg7 : memref<!tpu.dma_semaphore, #tpu.memory_space<semaphore_mem>>) src(%dma_wait3A_67 : memref<110000x64xf32, #tpu.memory_space<hbm>>) dst(%dma_wait3A_62 : memref<128x64xf32, #tpu.memory_space<vmem>>)
      %dma_wait3A_68 = arith.constant 256 : i32
      %dma_wait3A_69 = arith.constant 0 : i32
      %dma_wait3A_70 = tpu.memref_slice %arg6[%dma_wait3A_68, %dma_wait3A_69] : memref<640x64xf32, #tpu.memory_space<vmem>> -> memref<128x64xf32, #tpu.memory_space<vmem>>
      %dma_wait3A_71 = arith.constant 256 : i32
      %dma_wait3A_72 = tpu.memref_slice %arg5[%dma_wait3A_71] : memref<640xi32, #tpu.memory_space<vmem>> -> memref<128xi32, #tpu.memory_space<vmem>>
      %dma_wait3A_73 = arith.constant 0 : i32
      %dma_wait3A_74 = arith.constant 0 : i32
      %dma_wait3A_75 = tpu.memref_slice %arg2[%dma_wait3A_73, %dma_wait3A_74] : memref<110000x64xf32, #tpu.memory_space<hbm>> -> memref<110000x64xf32, #tpu.memory_space<hbm>>
      tpu.wait_indirect_dma semaphore(%arg7 : memref<!tpu.dma_semaphore, #tpu.memory_space<semaphore_mem>>) src(%dma_wait3A_75 : memref<110000x64xf32, #tpu.memory_space<hbm>>) dst(%dma_wait3A_70 : memref<128x64xf32, #tpu.memory_space<vmem>>)
      %dma_wait3A_76 = arith.constant 384 : i32
      %dma_wait3A_77 = arith.constant 0 : i32
      %dma_wait3A_78 = tpu.memref_slice %arg6[%dma_wait3A_76, %dma_wait3A_77] : memref<640x64xf32, #tpu.memory_space<vmem>> -> memref<128x64xf32, #tpu.memory_space<vmem>>
      %dma_wait3A_79 = arith.constant 384 : i32
      %dma_wait3A_80 = tpu.memref_slice %arg5[%dma_wait3A_79] : memref<640xi32, #tpu.memory_space<vmem>> -> memref<128xi32, #tpu.memory_space<vmem>>
      %dma_wait3A_81 = arith.constant 0 : i32
      %dma_wait3A_82 = arith.constant 0 : i32
      %dma_wait3A_83 = tpu.memref_slice %arg2[%dma_wait3A_81, %dma_wait3A_82] : memref<110000x64xf32, #tpu.memory_space<hbm>> -> memref<110000x64xf32, #tpu.memory_space<hbm>>
      tpu.wait_indirect_dma semaphore(%arg7 : memref<!tpu.dma_semaphore, #tpu.memory_space<semaphore_mem>>) src(%dma_wait3A_83 : memref<110000x64xf32, #tpu.memory_space<hbm>>) dst(%dma_wait3A_78 : memref<128x64xf32, #tpu.memory_space<vmem>>)
      %dma_wait3A_84 = arith.constant 512 : i32
      %dma_wait3A_85 = arith.constant 0 : i32
      %dma_wait3A_86 = tpu.memref_slice %arg6[%dma_wait3A_84, %dma_wait3A_85] : memref<640x64xf32, #tpu.memory_space<vmem>> -> memref<128x64xf32, #tpu.memory_space<vmem>>
      %dma_wait3A_87 = arith.constant 512 : i32
      %dma_wait3A_88 = tpu.memref_slice %arg5[%dma_wait3A_87] : memref<640xi32, #tpu.memory_space<vmem>> -> memref<128xi32, #tpu.memory_space<vmem>>
      %dma_wait3A_89 = arith.constant 0 : i32
      %dma_wait3A_90 = arith.constant 0 : i32
      %dma_wait3A_91 = tpu.memref_slice %arg2[%dma_wait3A_89, %dma_wait3A_90] : memref<110000x64xf32, #tpu.memory_space<hbm>> -> memref<110000x64xf32, #tpu.memory_space<hbm>>
      tpu.wait_indirect_dma semaphore(%arg7 : memref<!tpu.dma_semaphore, #tpu.memory_space<semaphore_mem>>) src(%dma_wait3A_91 : memref<110000x64xf32, #tpu.memory_space<hbm>>) dst(%dma_wait3A_86 : memref<128x64xf32, #tpu.memory_space<vmem>>)
      "tpu.region"() ({
        %run_scoped3A = tpu.sem_alloc : memref<!tpu.dma_semaphore, #tpu.memory_space<semaphore_mem>>
        %dma_start3A_92 = arith.constant 0 : i32
        %dma_start3A_93 = tpu.memref_slice %arg4[%add3A_11, %dma_start3A_92] : memref<204800x64xf32, #tpu.memory_space<hbm>> -> memref<640x64xf32, #tpu.memory_space<hbm>>
        %dma_start3A_94 = arith.constant 0 : i32
        %dma_start3A_95 = tpu.memref_slice %arg4[%add3A_11, %dma_start3A_94] : memref<204800x64xf32, #tpu.memory_space<hbm>> -> memref<640x64xf32, #tpu.memory_space<hbm>>
        tpu.enqueue_dma source(%arg6 : memref<640x64xf32, #tpu.memory_space<vmem>>) target(%dma_start3A_95 : memref<640x64xf32, #tpu.memory_space<hbm>>) target_semaphore(%run_scoped3A : memref<!tpu.dma_semaphore, #tpu.memory_space<semaphore_mem>>)
        %dma_wait3A_96 = arith.constant 0 : i32
        %dma_wait3A_97 = tpu.memref_slice %arg4[%add3A_11, %dma_wait3A_96] : memref<204800x64xf32, #tpu.memory_space<hbm>> -> memref<640x64xf32, #tpu.memory_space<hbm>>
        %dma_wait3A_98 = arith.constant 0 : i32
        %dma_wait3A_99 = tpu.memref_slice %arg4[%add3A_11, %dma_wait3A_98] : memref<204800x64xf32, #tpu.memory_space<hbm>> -> memref<640x64xf32, #tpu.memory_space<hbm>>
        tpu.wait_dma2 semaphore(%run_scoped3A : memref<!tpu.dma_semaphore, #tpu.memory_space<semaphore_mem>>) src(%arg6 : memref<640x64xf32, #tpu.memory_space<vmem>>) dst(%dma_wait3A_99 : memref<640x64xf32, #tpu.memory_space<hbm>>)
        tpu.yield
      }) : () -> ()
    }
    %scan3A_7 = arith.constant 10 : i32
    return
  }
}

module attributes {stable_mosaic.version = 14 : i64} {
  func.func @body(%arg0: i32, %arg1: memref<1000x128xf32, #tpu.memory_space<vmem>>, %arg2: memref<1000x128xf32, #tpu.memory_space<vmem>>, %arg3: memref<1000x128xf32, #tpu.memory_space<vmem>>) attributes {dimension_semantics = [#tpu.dimension_semantics<arbitrary>], iteration_bounds = array<i64: 55>, scalar_prefetch = 0 : i64, scratch_operands = 0 : i64, tpu.core_type = #tpu.core_type<tc>, window_params = [{transform_indices = @transform_0, window_bounds = array<i64: 1000, 128>}, {transform_indices = @transform_1, window_bounds = array<i64: 1000, 128>}, {transform_indices = @transform_2, window_bounds = array<i64: 1000, 128>}]} {
    %lt3A = arith.constant 50 : i32
    %lt3A_0 = arith.cmpi slt, %arg0, %lt3A : i32
    %convert_element_type3A = arith.extui %lt3A_0 : i1 to i32
    %cond3A = arith.constant 0 : i32
    %cond3A_1 = arith.cmpi ne, %convert_element_type3A, %cond3A : i32
    scf.if %cond3A_1 {
      %get3A = arith.constant 0 : index
      %get3A_6 = arith.constant 0 : index
      %get3A_7 = vector.load %arg1[%get3A, %get3A_6] : memref<1000x128xf32, #tpu.memory_space<vmem>>, vector<1000x128xf32>
      %swap3A = arith.constant 0 : index
      %swap3A_8 = arith.constant 0 : index
      %swap3A_9 = vector.load %arg3[%swap3A, %swap3A_8] : memref<1000x128xf32, #tpu.memory_space<vmem>>, vector<1000x128xf32>
      tpu.vector_store %arg3[%swap3A, %swap3A_8], %get3A_7 {strides = array<i32>} : memref<1000x128xf32, #tpu.memory_space<vmem>>, vector<1000x128xf32>,
    } else {
    }
    %ge3A = arith.constant 50 : i32
    %ge3A_2 = arith.cmpi sge, %arg0, %ge3A : i32
    %convert_element_type3A_3 = arith.extui %ge3A_2 : i1 to i32
    %cond3A_4 = arith.constant 0 : i32
    %cond3A_5 = arith.cmpi ne, %convert_element_type3A_3, %cond3A_4 : i32
    scf.if %cond3A_5 {
      %get3A = arith.constant 0 : index
      %get3A_6 = arith.constant 0 : index
      %get3A_7 = vector.load %arg2[%get3A, %get3A_6] : memref<1000x128xf32, #tpu.memory_space<vmem>>, vector<1000x128xf32>
      %swap3A = arith.constant 0 : index
      %swap3A_8 = arith.constant 0 : index
      %swap3A_9 = vector.load %arg3[%swap3A, %swap3A_8] : memref<1000x128xf32, #tpu.memory_space<vmem>>, vector<1000x128xf32>
      tpu.vector_store %arg3[%swap3A, %swap3A_8], %get3A_7 {strides = array<i32>} : memref<1000x128xf32, #tpu.memory_space<vmem>>, vector<1000x128xf32>,
    } else {
    }
    return
  }
  func.func @transform_0(%arg0: i32) -> (i32, i32) {
    %min3A = arith.constant 49 : i32
    %min3A_0 = arith.minsi %arg0, %min3A : i32
    %c0_i32 = arith.constant 0 : i32
    %c0_i32_1 = arith.constant 0 : i32
    return %min3A_0, %c0_i32 : i32, i32
  }
  func.func @transform_1(%arg0: i32) -> (i32, i32) {
    %sub3A = arith.constant 50 : i32
    %sub3A_0 = arith.subi %arg0, %sub3A : i32
    %max3A = arith.constant 0 : i32
    %max3A_1 = arith.maxsi %sub3A_0, %max3A : i32
    %c0_i32 = arith.constant 0 : i32
    %c0_i32_2 = arith.constant 0 : i32
    return %max3A_1, %c0_i32 : i32, i32
  }
  func.func @transform_2(%arg0: i32) -> (i32, i32) {
    %c0_i32 = arith.constant 0 : i32
    %c0_i32_0 = arith.constant 0 : i32
    return %arg0, %c0_i32 : i32, i32
  }
}

module attributes {stable_mosaic.version = 14 : i64} {
  func.func @body(%arg0: i32, %arg1: memref<1x128x12800xf32, #tpu.memory_space<vmem>>, %arg2: memref<200x8x1x8x128xf32, #tpu.memory_space<vmem>>) attributes {dimension_semantics = [#tpu.dimension_semantics<arbitrary>], iteration_bounds = array<i64: 8>, scalar_prefetch = 0 : i64, scratch_operands = 0 : i64, tpu.core_type = #tpu.core_type<tc>, window_params = [{transform_indices = @transform_0, window_bounds = array<i64: 1, 128, 12800>}, {transform_indices = @transform_1, window_bounds = array<i64: 200, 8, 1, 8, 128>}]} {
    %get3A = arith.constant 0 : index
    %get3A_0 = arith.constant 0 : index
    %get3A_1 = arith.constant 0 : index
    %get3A_2 = vector.load %arg1[%get3A, %get3A_0, %get3A_1] : memref<1x128x12800xf32, #tpu.memory_space<vmem>>, vector<1x128x12800xf32>
    %reshape3A = vector.shape_cast %get3A_2 : vector<1x128x12800xf32> to vector<128x12800xf32>
    %transpose3A = tpu.transpose %reshape3A, [1, 0] : vector<128x12800xf32> -> vector<12800x128xf32>
    %reshape3A_3 = vector.shape_cast %transpose3A : vector<12800x128xf32> to vector<200x8x1x8x128xf32>
    %swap3A = arith.constant 0 : index
    %swap3A_4 = arith.constant 0 : index
    %swap3A_5 = arith.constant 0 : index
    %swap3A_6 = arith.constant 0 : index
    %swap3A_7 = arith.constant 0 : index
    %swap3A_8 = vector.load %arg2[%swap3A, %swap3A_4, %swap3A_5, %swap3A_6, %swap3A_7] : memref<200x8x1x8x128xf32, #tpu.memory_space<vmem>>, vector<200x8x1x8x128xf32>
    tpu.vector_store %arg2[%swap3A, %swap3A_4, %swap3A_5, %swap3A_6, %swap3A_7], %reshape3A_3 {strides = array<i32>} : memref<200x8x1x8x128xf32, #tpu.memory_space<vmem>>, vector<200x8x1x8x128xf32>,
    return
  }
  func.func @transform_0(%arg0: i32) -> (i32, i32, i32) {
    %c0_i32 = arith.constant 0 : i32
    %c0_i32_0 = arith.constant 0 : i32
    %c0_i32_1 = arith.constant 0 : i32
    return %arg0, %c0_i32, %c0_i32_0 : i32, i32, i32
  }
  func.func @transform_1(%arg0: i32) -> (i32, i32, i32, i32, i32) {
    %add3A = arith.constant 0 : i32
    %add3A_0 = arith.addi %add3A, %arg0 : i32
    %c0_i32 = arith.constant 0 : i32
    %c0_i32_1 = arith.constant 0 : i32
    %c0_i32_2 = arith.constant 0 : i32
    %c0_i32_3 = arith.constant 0 : i32
    %c0_i32_4 = arith.constant 0 : i32
    return %c0_i32, %c0_i32_1, %add3A_0, %c0_i32_2, %c0_i32_3 : i32, i32, i32, i32, i32
  }
}

module attributes {stable_mosaic.version = 14 : i64} {
  func.func @body(%arg0: i32, %arg1: memref<1x128x12800xf32, #tpu.memory_space<vmem>>, %arg2: memref<200x8x32x8x128xf32, #tpu.memory_space<any>>, %arg3: memref<200x8x1x8x128xf32, #tpu.memory_space<vmem>>) attributes {dimension_semantics = [#tpu.dimension_semantics<arbitrary>], iteration_bounds = array<i64: 8>, scalar_prefetch = 0 : i64, scratch_operands = 0 : i64, tpu.core_type = #tpu.core_type<tc>, window_params = [{transform_indices = @transform_0, window_bounds = array<i64: 1, 128, 12800>}, {}, {transform_indices = @transform_2, window_bounds = array<i64: 200, 8, 1, 8, 128>}]} {
    %get3A = arith.constant 0 : index
    %get3A_0 = arith.constant 0 : index
    %get3A_1 = arith.constant 0 : index
    %get3A_2 = vector.load %arg1[%get3A, %get3A_0, %get3A_1] : memref<1x128x12800xf32, #tpu.memory_space<vmem>>, vector<1x128x12800xf32>
    %reshape3A = vector.shape_cast %get3A_2 : vector<1x128x12800xf32> to vector<128x12800xf32>
    %transpose3A = tpu.transpose %reshape3A, [1, 0] : vector<128x12800xf32> -> vector<12800x128xf32>
    %reshape3A_3 = vector.shape_cast %transpose3A : vector<12800x128xf32> to vector<200x8x1x8x128xf32>
    %swap3A = arith.constant 0 : index
    %swap3A_4 = arith.constant 0 : index
    %swap3A_5 = arith.constant 0 : index
    %swap3A_6 = arith.constant 0 : index
    %swap3A_7 = arith.constant 0 : index
    %swap3A_8 = vector.load %arg3[%swap3A, %swap3A_4, %swap3A_5, %swap3A_6, %swap3A_7] : memref<200x8x1x8x128xf32, #tpu.memory_space<vmem>>, vector<200x8x1x8x128xf32>
    tpu.vector_store %arg3[%swap3A, %swap3A_4, %swap3A_5, %swap3A_6, %swap3A_7], %reshape3A_3 {strides = array<i32>} : memref<200x8x1x8x128xf32, #tpu.memory_space<vmem>>, vector<200x8x1x8x128xf32>,
    return
  }
  func.func @transform_0(%arg0: i32) -> (i32, i32, i32) {
    %c0_i32 = arith.constant 0 : i32
    %c0_i32_0 = arith.constant 0 : i32
    %c0_i32_1 = arith.constant 0 : i32
    return %arg0, %c0_i32, %c0_i32_0 : i32, i32, i32
  }
  func.func @transform_2(%arg0: i32) -> (i32, i32, i32, i32, i32) {
    %add3A = arith.constant 8 : i32
    %add3A_0 = arith.addi %add3A, %arg0 : i32
    %c0_i32 = arith.constant 0 : i32
    %c0_i32_1 = arith.constant 0 : i32
    %c0_i32_2 = arith.constant 0 : i32
    %c0_i32_3 = arith.constant 0 : i32
    %c0_i32_4 = arith.constant 0 : i32
    return %c0_i32, %c0_i32_1, %add3A_0, %c0_i32_2, %c0_i32_3 : i32, i32, i32, i32, i32
  }
}

module attributes {stable_mosaic.version = 14 : i64} {
  func.func @body(%arg0: i32, %arg1: memref<1x128x12800xf32, #tpu.memory_space<vmem>>, %arg2: memref<200x8x32x8x128xf32, #tpu.memory_space<any>>, %arg3: memref<200x8x1x8x128xf32, #tpu.memory_space<vmem>>) attributes {dimension_semantics = [#tpu.dimension_semantics<arbitrary>], iteration_bounds = array<i64: 8>, scalar_prefetch = 0 : i64, scratch_operands = 0 : i64, tpu.core_type = #tpu.core_type<tc>, window_params = [{transform_indices = @transform_0, window_bounds = array<i64: 1, 128, 12800>}, {}, {transform_indices = @transform_2, window_bounds = array<i64: 200, 8, 1, 8, 128>}]} {
    %get3A = arith.constant 0 : index
    %get3A_0 = arith.constant 0 : index
    %get3A_1 = arith.constant 0 : index
    %get3A_2 = vector.load %arg1[%get3A, %get3A_0, %get3A_1] : memref<1x128x12800xf32, #tpu.memory_space<vmem>>, vector<1x128x12800xf32>
    %reshape3A = vector.shape_cast %get3A_2 : vector<1x128x12800xf32> to vector<128x12800xf32>
    %transpose3A = tpu.transpose %reshape3A, [1, 0] : vector<128x12800xf32> -> vector<12800x128xf32>
    %reshape3A_3 = vector.shape_cast %transpose3A : vector<12800x128xf32> to vector<200x8x1x8x128xf32>
    %swap3A = arith.constant 0 : index
    %swap3A_4 = arith.constant 0 : index
    %swap3A_5 = arith.constant 0 : index
    %swap3A_6 = arith.constant 0 : index
    %swap3A_7 = arith.constant 0 : index
    %swap3A_8 = vector.load %arg3[%swap3A, %swap3A_4, %swap3A_5, %swap3A_6, %swap3A_7] : memref<200x8x1x8x128xf32, #tpu.memory_space<vmem>>, vector<200x8x1x8x128xf32>
    tpu.vector_store %arg3[%swap3A, %swap3A_4, %swap3A_5, %swap3A_6, %swap3A_7], %reshape3A_3 {strides = array<i32>} : memref<200x8x1x8x128xf32, #tpu.memory_space<vmem>>, vector<200x8x1x8x128xf32>,
    return
  }
  func.func @transform_0(%arg0: i32) -> (i32, i32, i32) {
    %c0_i32 = arith.constant 0 : i32
    %c0_i32_0 = arith.constant 0 : i32
    %c0_i32_1 = arith.constant 0 : i32
    return %arg0, %c0_i32, %c0_i32_0 : i32, i32, i32
  }
  func.func @transform_2(%arg0: i32) -> (i32, i32, i32, i32, i32) {
    %add3A = arith.constant 16 : i32
    %add3A_0 = arith.addi %add3A, %arg0 : i32
    %c0_i32 = arith.constant 0 : i32
    %c0_i32_1 = arith.constant 0 : i32
    %c0_i32_2 = arith.constant 0 : i32
    %c0_i32_3 = arith.constant 0 : i32
    %c0_i32_4 = arith.constant 0 : i32
    return %c0_i32, %c0_i32_1, %add3A_0, %c0_i32_2, %c0_i32_3 : i32, i32, i32, i32, i32
  }
}

module attributes {stable_mosaic.version = 14 : i64} {
  func.func @body(%arg0: i32, %arg1: memref<1x128x12800xf32, #tpu.memory_space<vmem>>, %arg2: memref<200x8x32x8x128xf32, #tpu.memory_space<any>>, %arg3: memref<200x8x1x8x128xf32, #tpu.memory_space<vmem>>) attributes {dimension_semantics = [#tpu.dimension_semantics<arbitrary>], iteration_bounds = array<i64: 8>, scalar_prefetch = 0 : i64, scratch_operands = 0 : i64, tpu.core_type = #tpu.core_type<tc>, window_params = [{transform_indices = @transform_0, window_bounds = array<i64: 1, 128, 12800>}, {}, {transform_indices = @transform_2, window_bounds = array<i64: 200, 8, 1, 8, 128>}]} {
    %get3A = arith.constant 0 : index
    %get3A_0 = arith.constant 0 : index
    %get3A_1 = arith.constant 0 : index
    %get3A_2 = vector.load %arg1[%get3A, %get3A_0, %get3A_1] : memref<1x128x12800xf32, #tpu.memory_space<vmem>>, vector<1x128x12800xf32>
    %reshape3A = vector.shape_cast %get3A_2 : vector<1x128x12800xf32> to vector<128x12800xf32>
    %transpose3A = tpu.transpose %reshape3A, [1, 0] : vector<128x12800xf32> -> vector<12800x128xf32>
    %reshape3A_3 = vector.shape_cast %transpose3A : vector<12800x128xf32> to vector<200x8x1x8x128xf32>
    %swap3A = arith.constant 0 : index
    %swap3A_4 = arith.constant 0 : index
    %swap3A_5 = arith.constant 0 : index
    %swap3A_6 = arith.constant 0 : index
    %swap3A_7 = arith.constant 0 : index
    %swap3A_8 = vector.load %arg3[%swap3A, %swap3A_4, %swap3A_5, %swap3A_6, %swap3A_7] : memref<200x8x1x8x128xf32, #tpu.memory_space<vmem>>, vector<200x8x1x8x128xf32>
    tpu.vector_store %arg3[%swap3A, %swap3A_4, %swap3A_5, %swap3A_6, %swap3A_7], %reshape3A_3 {strides = array<i32>} : memref<200x8x1x8x128xf32, #tpu.memory_space<vmem>>, vector<200x8x1x8x128xf32>,
    return
  }
  func.func @transform_0(%arg0: i32) -> (i32, i32, i32) {
    %c0_i32 = arith.constant 0 : i32
    %c0_i32_0 = arith.constant 0 : i32
    %c0_i32_1 = arith.constant 0 : i32
    return %arg0, %c0_i32, %c0_i32_0 : i32, i32, i32
  }
  func.func @transform_2(%arg0: i32) -> (i32, i32, i32, i32, i32) {
    %add3A = arith.constant 24 : i32
    %add3A_0 = arith.addi %add3A, %arg0 : i32
    %c0_i32 = arith.constant 0 : i32
    %c0_i32_1 = arith.constant 0 : i32
    %c0_i32_2 = arith.constant 0 : i32
    %c0_i32_3 = arith.constant 0 : i32
    %c0_i32_4 = arith.constant 0 : i32
    return %c0_i32, %c0_i32_1, %add3A_0, %c0_i32_2, %c0_i32_3 : i32, i32, i32, i32, i32
  }
}

</mosaic_0001>

<sc_bundles>
// kernel: kernel.11.cloned.1.call-start
scs
__scs_entry_jumppad:
0x0: {  	(pc) =	sbr.rel $0x88, $3  }
0x1: {  	(tag) =	ssettag $0x0;
	lr =	simm.s32 $0x1  }
0x2: {  	[smem:$0x3F9E] =	sst lr;
	_ =	strace $0xD0000000  }
0x3: {  	_ = 	snop  }
0x4: {  	_ = 	snop  }
0x5: {  	_ = 	snop  }
0x6: {  	_ = 	snop  }
0x7: {  	_ = 	snop  }
__scs_overlays_trampoline_lowered:
0x8: {  	[smem:$0x3FAD] =	sst s0  }
0x9: {  	[smem:$0x3FAE] =	sst s1  }
0xa: {  	[smem:$0x3FAF] =	sst s2  }
0xb: {  	[smem:$0x3FB0] =	sst s3  }
0xc: {  	[smem:$0x3FB1] =	sst s4  }
0xd: {  	[smem:$0x3FB2] =	sst s5  }
0xe: {  	[smem:$0x3FB3] =	sst s6  }
0xf: {  	[smem:$0x3FB4] =	sst s7  }
0x10: {  	[smem:$0x3FB5] =	sst s8  }
0x11: {  	[smem:$0x3FB6] =	sst s9;
	s0 =	simm.s32 @!p0 $0x0  }
0x12: {  	s1 =	sld [smem:$0x3F9C];
	s0 =	simm.s32 @p0 $0x1  }
0x13: {  	[smem:$0x3FB7] =	sst s0;
	s0 =	simm.s32 @!p1 $0x0  }
0x14: {  	s2 =	sld [smem:$0x3F9B];
	s0 =	simm.s32 @p1 $0x1  }
0x15: {  	[smem:$0x3FB8] =	sst s0;
	s0 =	simm.s32 @!p2 $0x0  }
0x16: {  	s3 =	sld [smem:$0x3FDB];
	s0 =	simm.s32 @p2 $0x1  }
0x17: {  	s4 =	simm.s32 $0x1BF5;
	[smem:$0x3FBA] =	sst s0  }
0x18: {  	s0 =	sld [smem:$0x3F9D];
	_ =	swait.ge [sflag:s4], $0x0  }
0x19: {  	s7 =	sld [smem:$0x3F9E]  }
0x1a: {  	s8 =	sadd.s32 $0xFFFFE003, lr  }
0x1b: {  	s9 =	sadd.s32 $0xFFFFFEF7, lr;
	s5 =	simm.s32 $0xFFFFFFFF;
	p2 =	slt.u32 s8, $0xFFFFF086  }
0x1c: {  	p1 =	slt.u32 s9, $0xF7A;
	s5 =	simm.s32 @!p2 $0x0  }
0x1d: {  	s5 =	simm.s32 @p1 $0x1;
	p0 =	seq.s32 s7, s2  }
0x1e: {  	s7 =	smul.u32 @!p0 $0xF7A, s2;
	p2 =	seq.s32 @!p0 s5, $0x0  }
0x1f: {  	s9 =	smul.u32 $0xF7A, s1;
	s8 =	simm.s32 @!p0 $0x1BF5;
	p2 =	por !p2, p0  }
0x20: {  	[sflag:s8] =	ssyncset.s32 @!p0 $0xFFFFF086;
	s6 =	sadd.s32 @!p0 s3, s7;
	s7 =	simm.s32 @!p0 $0x108  }
0x21: {  	s3 =	sadd.s32 s3, s9;
	s6 =	sadd.s32 @!p0 $0x88, s6;
	s7 =	simm.s32 @p2 $0x1082  }
0x22: {  	[simem:s7], [sflag:s8] =	dma.local @!p0 [hbm:s6], $0xF7A  }
0x23: {  	s9 =	sor.u32 $0xD0000000, s2;
	s6 =	simm.s32 $0x108;
	_ =	swait.ge @!p0 [sflag:s8], $0x0  }
0x24: {  	s3 =	sadd.s32 $0x88, s3;
	s6 =	simm.s32 @!p1 $0x1082;
	[sflag:s4] =	ssyncset.s32 $0xFFFFF086  }
0x25: {  	[simem:s6], [sflag:s4] =	dma.local [hbm:s3], $0xF7A  }
0x26: {  	[smem:$0x3F9E] =	sst s1;
	(tag) =	ssettag s2;
	_ =	strace s9  }
0x27: {  	s1 =	sld [smem:$0x3FAE]  }
0x28: {  	s2 =	sld [smem:$0x3FAF]  }
0x29: {  	s4 =	sld [smem:$0x3FB1]  }
0x2a: {  	p0 =	seq.s32 s5, $0x0;
	s5 =	sld [smem:$0x3FB2]  }
0x2b: {  	s6 =	sld [smem:$0x3FB3]  }
0x2c: {  	s7 =	sld [smem:$0x3FB4]  }
0x2d: {  	s3 =	simm.s32 $0x108;
	s8 =	sld [smem:$0x3FB5]  }
0x2e: {  	s3 =	simm.s32 @!p0 $0x1082;
	s9 =	sld [smem:$0x3FB6]  }
0x2f: {  	lr =	sadd.s32 s0, s3;
	s0 =	sld [smem:$0x3FAD]  }
0x30: {  	s3 =	sld [smem:$0x3FB0]  }
0x31: {  	[smem:$0x3FB9] =	sst s10  }
0x32: {  	s10 =	sld [smem:$0x3FB7];
	_ =	sdelay $0x3  }
0x33: {  	p0 =	seq.s32 s10, $0x1;
	s10 =	sld [smem:$0x3FB9];
	_ =	sdelay $0x3  }
0x34: {  	[smem:$0x3FB9] =	sst s10  }
0x35: {  	s10 =	sld [smem:$0x3FB8];
	_ =	sdelay $0x3  }
0x36: {  	p1 =	seq.s32 s10, $0x1;
	s10 =	sld [smem:$0x3FB9];
	_ =	sdelay $0x3  }
0x37: {  	[smem:$0x3FB9] =	sst s10  }
0x38: {  	s10 =	sld [smem:$0x3FBA]  }
0x39: {  	_ = 	snop;
	(pc) =	sbr.ind lr, $3  }
0x3a: {  	_ = 	snop  }
0x3b: {  	_ = 	snop  }
0x3c: {  	p2 =	seq.s32 s10, $0x1;
	s10 =	sld [smem:$0x3FB9]  }
0x3d: {  	_ =	shalt  }
0x3e: {  	_ =	shalt  }
0x3f: {  	_ =	shalt  }
0x40: {  	_ =	shalt  }
0x41: {  	_ =	shalt  }
0x42: {  	_ =	shalt  }
0x43: {  	_ =	shalt  }
0x44: {  	_ =	shalt  }
0x45: {  	_ =	shalt  }
0x46: {  	_ =	shalt  }
0x47: {  	_ =	shalt  }
0x48: {  	_ =	shalt  }
0x49: {  	_ =	shalt  }
0x4a: {  	_ =	shalt  }
0x4b: {  	_ =	shalt  }
0x4c: {  	_ =	shalt  }
0x4d: {  	_ =	shalt  }
0x4e: {  	_ =	shalt  }
0x4f: {  	_ =	shalt  }
0x50: {  	_ =	shalt  }
0x51: {  	_ =	shalt  }
0x52: {  	_ =	shalt  }
0x53: {  	_ =	shalt  }
0x54: {  	_ =	shalt  }
0x55: {  	_ =	shalt  }
0x56: {  	_ =	shalt  }
0x57: {  	_ =	shalt  }
0x58: {  	_ =	shalt  }
0x59: {  	_ =	shalt  }
0x5a: {  	_ =	shalt  }
0x5b: {  	_ =	shalt  }
0x5c: {  	_ =	shalt  }
0x5d: {  	_ =	shalt  }
0x5e: {  	_ =	shalt  }
0x5f: {  	_ =	shalt  }
0x60: {  	_ =	shalt  }
0x61: {  	_ =	shalt  }
0x62: {  	_ =	shalt  }
0x63: {  	_ =	shalt  }
0x64: {  	_ =	shalt  }
0x65: {  	_ =	shalt  }
0x66: {  	_ =	shalt  }
0x67: {  	_ =	shalt  }
0x68: {  	_ =	shalt  }
0x69: {  	_ =	shalt  }
0x6a: {  	_ =	shalt  }
0x6b: {  	_ =	shalt  }
0x6c: {  	_ =	shalt  }
0x6d: {  	_ =	shalt  }
0x6e: {  	_ =	shalt  }
0x6f: {  	_ =	shalt  }
0x70: {  	_ =	shalt  }
0x71: {  	_ =	shalt  }
0x72: {  	_ =	shalt  }
0x73: {  	_ =	shalt  }
0x74: {  	_ =	shalt  }
0x75: {  	_ =	shalt  }
0x76: {  	_ =	shalt  }
0x77: {  	_ =	shalt  }
0x78: {  	_ =	shalt  }
0x79: {  	_ =	shalt  }
0x7a: {  	_ =	shalt  }
0x7b: {  	_ =	shalt  }
0x7c: {  	_ =	shalt  }
0x7d: {  	_ =	shalt  }
0x7e: {  	_ =	shalt  }
0x7f: {  	_ =	shalt  }
0x80: {  	_ =	shalt  }
0x81: {  	_ =	shalt  }
0x82: {  	_ =	shalt  }
0x83: {  	_ =	shalt  }
0x84: {  	_ =	shalt  }
0x85: {  	_ =	shalt  }
0x86: {  	_ =	shalt  }
0x87: {  	_ =	shalt  }
.Lfunc_end0:
.L_simem_size_0:
called_computation_lowered:
.L_overlay_start_0:
0x88: {  	s2 =	sld [smem:$0x3FD9]  }
0x89: {  	s3 =	sld [smem:$0x3FFE];
	_ =	sdelay $0x1  }
0x8a: {  	s1 =	srdreg.scid  }
0x8b: {  	s0 =	sand.u32 $0x1, s1  }
0x8c: {  	s17 =	sshll.u32 s0, $0xA;
	s2 =	sadd.s32 s3, s2  }
0x8d: {  	s2 =	sadd.s32 s2, s17  }
0x8e: {  	[smem:$0x3FC5] =	sst s2  }
0x8f: {  	_ = 	snop  }
0x90: {  	s2 =	sld [smem:$0x3FD0];
	(tm) =	ssettm $0x1  }
0x91: {  	s18 =	sld [smem:$0x3FFB];
	_ =	sdelay $0x3  }
0x92: {  	_ =	strace s18  }
0x93: {  	s3 =	sld [smem:$0x3FFC];
	_ =	sdelay $0x3  }
0x94: {  	_ =	strace s3  }
0x95: {  	s3 =	sld [smem:$0x3FFD];
	_ =	sdelay $0x3  }
0x96: {  	_ =	strace s3  }
0x97: {  	_ =	strace $0x8FFFFFFF  }
0x98: {  	s19 =	sld [smem:$0x3FDB];
	_ =	sdelay $0x1  }
0x99: {  	s4 =	simm.s32 $_scs_section_size  }
0x9a: {  	s5 =	simm.s32 $_size__tile_overlayer_lowered;
	s6 =	simm.s32 $_tile_overlayer_lowered  }
0x9b: {  	s22 =	simm.s32 $0x1BFF;
	s21 =	sshll.u32 s6, $0x1;
	s3 =	sadd.s32 s4, s19  }
0x9c: {  	s7 =	simm.s32 $0x0;
	s20 =	sshll.u32 s5, $0x1;
	s5 =	sadd.s32 s21, s3  }
0x9d: {  	[timem:s7], [sflag:s22] =	dma.local [hbm:s5], s20  }
0x9e: {  	_ =	swait.ge [sflag:s22], s20  }
0x9f: {  	s4 =	ssub.s32 $0x0, s20;
	[sflag:s22] =	ssyncset.done $0x0  }
0xa0: {  	[sflag:s22] =	ssyncadd.s32 s4;
	_ =	sdelay $0x1  }
0xa1: {  	s23 =	simm.s32 $0x1B8B  }
0xa2: {  	_ =	swait.ge [sflag:s23], $0x1  }
0xa3: {  	[sflag:s23] =	ssyncset.done $0x0  }
0xa4: {  	s25 =	simm.s32 $0x1B8E;
	s24 =	sld [smem:$0x3FFE];
	[sflag:s23] =	ssyncadd.s32 $0xFFFFFFFF  }
0xa5: {  	s26 =	simm.s32 $execute0_lowered;
	[smem:$0x3FD2] =	sst s25  }
0xa6: {  	s5 =	sshll.u32 s26, $0x1;
	_ =	strace $0x80000046;
	[dreg:$0x1] =	wrdreg $0xFFFFFFFF  }
0xa7: {  	s28 =	simm.s32 $_size_execute0_lowered;
	s3 =	sadd.s32 s3, s5;
	[dreg:$0x0] =	wrdreg $0x0  }
0xa8: {  	s5 =	sshll.u32 s28, $0x1;
	[dreg:$0x2] =	wrdreg s3  }
0xa9: {  	[dreg:$0x3] =	wrdreg s5  }
0xaa: {  	[dreg:$0x4] =	wrdreg $0xC0  }
0xab: {  	_ =	task [dreg:s7], $0x5FFFF  }
0xac: {  	[dreg:$0x1] =	wrdreg $0xFFFFFFFF  }
0xad: {  	[dreg:$0x0] =	wrdreg $0x60  }
0xae: {  	[dreg:$0x2] =	wrdreg s24  }
0xaf: {  	[dreg:$0x3] =	wrdreg s2  }
0xb0: {  	[dreg:$0x4] =	wrdreg $0x9  }
0xb1: {  	_ =	task.clear_ibuf [dreg:s7], $0x5FFFF;
	_ =	strace $0x90000046  }
0xb2: {  	s29 =	simm.s32 $0x9;
	_ =	strace $0x80000048  }
0xb3: {  	_ =	swait.ge [sflag:s29], $0x1  }
0xb4: {  	[sflag:s29] =	ssyncadd.s32 $0xFFFFFFFF  }
0xb5: {  	_ =	strace $0x90000048  }
0xb6: {  	_ =	sfence  }
0xb7: {  	s30 =	sld [smem:$0x0];
	_ =	sdelay $0x2  }
0xb8: {  	s31 =	sshll.u32 s1, $0xD;
	s1 =	sshrl.u32 s1, $0x2  }
0xb9: {  	s3 =	sand.u32 $0x4000, s31;
	s1 =	sadd.s32 s1, s30  }
0xba: {  	s0 =	sor.u32 s3, s0;
	s1 =	sshll.u32 s1, $0x11  }
0xbb: {  	s0 =	sor.u32 s1, s0  }
0xbc: {  	s0 =	sadd.s32 $0x8F2B, s0  }
0xbd: {  	[sflag:s0] =	ssyncadd.remote.s32 $0x1  }
0xbe: {  	_ =	sfence.sel $0xFFFF  }
0xbf: {  	[dreg:$0x0] =	wrdreg $0xFFFFFFFF;
	(pc) =	sbr.abs _section_cstart, $3  }
0xc0: {  	[dreg:$0x1] =	wrdreg $0xFFFFFFFF  }
0xc1: {  	_ =	task.clear_ibuf [dreg:s7], $0x2FFFF;
	_ =	strace $0x9FFFFFFF  }
0xc2: {  	(tm) =	ssettm $0x7FFFFFFF  }
0xc3: {  	_ =	shalt  }
tec
execute0_lowered:
.L_overlay_start_1:
0x0: {  	(tag) =	ssettag $0x1  }
0x1: {  	s4 =	rddreg [dreg:$0x0]  }
0x2: {  	s5 =	rddreg [dreg:$0x1]  }
0x3: {  	s0 =	rddreg [dreg:$0x2]  }
0x4: {  	s3 =	srdreg.scid;
	s1 =	stileid.u32;
	s2 =	simm.s32 $0x0  }
0x5: {  	s11 =	simm.s32 $0x100;
	s12 =	simm.s32 $0x4280;
	s13 =	simm.s32 $0x180  }
0x6: {  	s14 =	simm.s32 $0x6280;
	s15 =	simm.s32 $0x200;
	s16 =	simm.s32 $0x8280  }
0x7: {  	s17 =	simm.s32 $0x1;
	s18 =	simm.s32 $0x0;
	s7 =	smul.u32 $0x3200, s1  }
0x8: {  	s6 =	sand.u32 $0x1, s3;
	[smem:$0x7FF] =	sst s2;
	s9 =	smul.u32 $0x19000, s1  }
0x9: {  	s3 =	sadd.s32 $0xDDA00, s4;
	s8 =	smul.u32 $0x1900, s6;
	s30 =	ssub.s32 $0x2, s6  }
0xa: {  	_ =	strace $0x80000047;
	s6 =	smul.u32 $0xC800, s6;
	s10 =	sshrl.u32 s30, $0x1  }
0xb: {  	s5 =	sadd.s32 s9, s5;
	s9 =	simm.s32 $0x280;
	s7 =	sadd.s32 s8, s7  }
0xc: {  	s31 =	ssub.s32 s30, s10;
	s5 =	sadd.s32 s6, s5;
	s7 =	sshrl.u32 s7, $0x3  }
0xd: {  	s8 =	simm.s32 $0x80;
	s10 =	simm.s32 $0x2280;
	s7 =	sadd.s32 s7, s4  }
0xe: {  	s4 =	smax.u32 s31, $0x1;
	s6 =	sadd.s32 $0xC4A00, s7;
	s7 =	simm.s32 $0x2  }
.LBB2_1:
0xf: {  	s19 =	sadd.s32 $0x0, s6  }
0x10: {  	[tilespmem:s2], [sflag:$0x2] =	stream.linear.gather [hbm4b:s19+s2], $0x280, $0x38;
	[tilespmem:$0xA280] =	vst v63  }
0x11: {  	_ =	swait.ge [sflag:s7], $0x280  }
0x12: {  	[sflag:s7] =	ssyncset.done $0x0  }
0x13: {  	[sflag:s7] =	ssyncadd.s32 $0xFFFFFD80  }
0x14: {  	[tilespmem:s9], [sflag:$0x1] =	stream.indirect.gather [hbm4b:s3+s8], $0x40, s2, s8, $0xb8;
	[tilespmem:$0xA280] =	vst v63  }
0x15: {  	_ = 	snop  }
0x16: {  	[tilespmem:s10], [sflag:$0x1] =	stream.indirect.gather [hbm4b:s3+s8], $0x40, s8, s8, $0xb8;
	[tilespmem:$0xA280] =	vst v63  }
0x17: {  	_ = 	snop  }
0x18: {  	[tilespmem:s12], [sflag:$0x1] =	stream.indirect.gather [hbm4b:s3+s8], $0x40, s11, s8, $0xb8;
	[tilespmem:$0xA280] =	vst v63  }
0x19: {  	_ = 	snop  }
0x1a: {  	[tilespmem:s14], [sflag:$0x1] =	stream.indirect.gather [hbm4b:s3+s8], $0x40, s13, s8, $0xb8;
	[tilespmem:$0xA280] =	vst v63  }
0x1b: {  	_ = 	snop  }
0x1c: {  	[tilespmem:s16], [sflag:$0x1] =	stream.indirect.gather [hbm4b:s3+s8], $0x40, s15, s8, $0xb8;
	[tilespmem:$0xA280] =	vst v63  }
0x1d: {  	_ =	swait.ge [sflag:s17], $0x2000  }
0x1e: {  	[sflag:s17] =	ssyncset.done $0x0  }
0x1f: {  	[sflag:s17] =	ssyncadd.s32 $0xFFFFE000  }
0x20: {  	_ =	swait.ge [sflag:s17], $0x2000  }
0x21: {  	[sflag:s17] =	ssyncset.done $0x0  }
0x22: {  	[sflag:s17] =	ssyncadd.s32 $0xFFFFE000  }
0x23: {  	_ =	swait.ge [sflag:s17], $0x2000  }
0x24: {  	[sflag:s17] =	ssyncset.done $0x0  }
0x25: {  	[sflag:s17] =	ssyncadd.s32 $0xFFFFE000  }
0x26: {  	_ =	swait.ge [sflag:s17], $0x2000  }
0x27: {  	[sflag:s17] =	ssyncset.done $0x0  }
0x28: {  	[sflag:s17] =	ssyncadd.s32 $0xFFFFE000  }
0x29: {  	_ =	swait.ge [sflag:s17], $0x2000  }
0x2a: {  	[sflag:s17] =	ssyncset.done $0x0  }
0x2b: {  	[sflag:s17] =	ssyncadd.s32 $0xFFFFE000  }
0x2c: {  	[hbm4b:s5+s2] =	stream.linear.scatter [tilespmem:s9], [sflag:$0x2], $0xA000, $0x38;
	[tilespmem:$0xA280] =	vst v63  }
0x2d: {  	s20 =	simm.s32 $0x50;
	_ =	swait.ge [sflag:s7], $0xA000  }
0x2e: {  	s21 =	simm.s32 $0xA0;
	s19 =	sadd.s32 $0x1400, s5;
	[sflag:s7] =	ssyncset.done $0x0  }
.LBB2_2:
0x2f: {  	s22 =	sadd.s32 s20, s6  }
0x30: {  	[sflag:s7] =	ssyncadd.s32 $0xFFFF6000;
	s20 =	smov.u32 s21;
	s23 =	sadd.s32 $0x50, s21  }
0x31: {  	[tilespmem:s2], [sflag:$0x2] =	stream.linear.gather [hbm4b:s22+s2], $0x280, $0x38;
	[tilespmem:$0xA280] =	vst v63  }
0x32: {  	p0 =	sne.s32 s21, $0x2D0;
	_ =	swait.ge [sflag:s7], $0x280  }
0x33: {  	[sflag:s7] =	ssyncset.done $0x0  }
0x34: {  	[sflag:s7] =	ssyncadd.s32 $0xFFFFFD80  }
0x35: {  	[tilespmem:s9], [sflag:$0x1] =	stream.indirect.gather [hbm4b:s3+s8], $0x40, s2, s8, $0xb8;
	[tilespmem:$0xA280] =	vst v63  }
0x36: {  	_ = 	snop  }
0x37: {  	[tilespmem:s10], [sflag:$0x1] =	stream.indirect.gather [hbm4b:s3+s8], $0x40, s8, s8, $0xb8;
	[tilespmem:$0xA280] =	vst v63  }
0x38: {  	_ = 	snop  }
0x39: {  	[tilespmem:s12], [sflag:$0x1] =	stream.indirect.gather [hbm4b:s3+s8], $0x40, s11, s8, $0xb8;
	[tilespmem:$0xA280] =	vst v63  }
0x3a: {  	_ = 	snop  }
0x3b: {  	[tilespmem:s14], [sflag:$0x1] =	stream.indirect.gather [hbm4b:s3+s8], $0x40, s13, s8, $0xb8;
	[tilespmem:$0xA280] =	vst v63  }
0x3c: {  	_ = 	snop  }
0x3d: {  	[tilespmem:s16], [sflag:$0x1] =	stream.indirect.gather [hbm4b:s3+s8], $0x40, s15, s8, $0xb8;
	[tilespmem:$0xA280] =	vst v63  }
0x3e: {  	_ =	swait.ge [sflag:s17], $0x2000  }
0x3f: {  	[sflag:s17] =	ssyncset.done $0x0  }
0x40: {  	[sflag:s17] =	ssyncadd.s32 $0xFFFFE000  }
0x41: {  	_ =	swait.ge [sflag:s17], $0x2000  }
0x42: {  	[sflag:s17] =	ssyncset.done $0x0  }
0x43: {  	[sflag:s17] =	ssyncadd.s32 $0xFFFFE000  }
0x44: {  	_ =	swait.ge [sflag:s17], $0x2000  }
0x45: {  	[sflag:s17] =	ssyncset.done $0x0  }
0x46: {  	[sflag:s17] =	ssyncadd.s32 $0xFFFFE000  }
0x47: {  	_ =	swait.ge [sflag:s17], $0x2000  }
0x48: {  	[sflag:s17] =	ssyncset.done $0x0  }
0x49: {  	[sflag:s17] =	ssyncadd.s32 $0xFFFFE000  }
0x4a: {  	_ =	swait.ge [sflag:s17], $0x2000  }
.Ltmp0:
0x4b: {  	[sflag:s17] =	ssyncset.done $0x0;
	(pc) =	sbr.rel @p0 .LBB2_2-.Ltmp0, $4  }
0x4c: {  	[sflag:s17] =	ssyncadd.s32 $0xFFFFE000  }
0x4d: {  	[hbm4b:s19+s2] =	stream.linear.scatter [tilespmem:s9], [sflag:$0x2], $0xA000, $0x38;
	[tilespmem:$0xA280] =	vst v63  }
0x4e: {  	_ =	swait.ge [sflag:s7], $0xA000  }
0x4f: {  	s21 =	smov.u32 s23;
	s19 =	sadd.s32 $0x1400, s19;
	[sflag:s7] =	ssyncset.done $0x0  }
0x50: {  	s20 =	sadd.s32 s20, s6;
	[sflag:s7] =	ssyncadd.s32 $0xFFFF6000  }
0x51: {  	[tilespmem:s2], [sflag:$0x2] =	stream.linear.gather [hbm4b:s20+s2], $0x280, $0x38;
	[tilespmem:$0xA280] =	vst v63  }
0x52: {  	_ =	swait.ge [sflag:s7], $0x280  }
0x53: {  	[sflag:s7] =	ssyncset.done $0x0  }
0x54: {  	[sflag:s7] =	ssyncadd.s32 $0xFFFFFD80  }
0x55: {  	[tilespmem:s9], [sflag:$0x1] =	stream.indirect.gather [hbm4b:s3+s8], $0x40, s2, s8, $0xb8;
	[tilespmem:$0xA280] =	vst v63  }
0x56: {  	_ = 	snop  }
0x57: {  	[tilespmem:s10], [sflag:$0x1] =	stream.indirect.gather [hbm4b:s3+s8], $0x40, s8, s8, $0xb8;
	[tilespmem:$0xA280] =	vst v63  }
0x58: {  	_ = 	snop  }
0x59: {  	[tilespmem:s12], [sflag:$0x1] =	stream.indirect.gather [hbm4b:s3+s8], $0x40, s11, s8, $0xb8;
	[tilespmem:$0xA280] =	vst v63  }
0x5a: {  	_ = 	snop  }
0x5b: {  	[tilespmem:s14], [sflag:$0x1] =	stream.indirect.gather [hbm4b:s3+s8], $0x40, s13, s8, $0xb8;
	[tilespmem:$0xA280] =	vst v63  }
0x5c: {  	_ = 	snop  }
0x5d: {  	[tilespmem:s16], [sflag:$0x1] =	stream.indirect.gather [hbm4b:s3+s8], $0x40, s15, s8, $0xb8;
	[tilespmem:$0xA280] =	vst v63  }
0x5e: {  	_ =	swait.ge [sflag:s17], $0x2000  }
0x5f: {  	[sflag:s17] =	ssyncset.done $0x0  }
0x60: {  	[sflag:s17] =	ssyncadd.s32 $0xFFFFE000  }
0x61: {  	_ =	swait.ge [sflag:s17], $0x2000  }
0x62: {  	[sflag:s17] =	ssyncset.done $0x0  }
0x63: {  	[sflag:s17] =	ssyncadd.s32 $0xFFFFE000  }
0x64: {  	_ =	swait.ge [sflag:s17], $0x2000  }
0x65: {  	[sflag:s17] =	ssyncset.done $0x0  }
0x66: {  	[sflag:s17] =	ssyncadd.s32 $0xFFFFE000  }
0x67: {  	_ =	swait.ge [sflag:s17], $0x2000  }
0x68: {  	[sflag:s17] =	ssyncset.done $0x0  }
0x69: {  	[sflag:s17] =	ssyncadd.s32 $0xFFFFE000  }
0x6a: {  	s18 =	sadd.s32 $0x1, s18;
	_ =	swait.ge [sflag:s17], $0x2000  }
0x6b: {  	p0 =	sne.s32 s18, s4;
	[sflag:s17] =	ssyncset.done $0x0  }
.Ltmp1:
0x6c: {  	[sflag:s17] =	ssyncadd.s32 $0xFFFFE000;
	(pc) =	sbr.rel @p0 .LBB2_1-.Ltmp1, $4  }
0x6d: {  	[hbm4b:s19+s2] =	stream.linear.scatter [tilespmem:s9], [sflag:$0x2], $0xA000, $0x38;
	[tilespmem:$0xA280] =	vst v63  }
0x6e: {  	_ =	swait.ge [sflag:s7], $0xA000  }
0x6f: {  	[sflag:s7] =	ssyncset.done $0x0  }
0x70: {  	[sflag:s7] =	ssyncadd.s32 $0xFFFF6000  }
0x71: {  	_ =	sfence.sel $0x180000  }
0x72: {  	[bflag:$0x0] =	sbarrier.arrive $0xFFFF  }
0x73: {  	p0 =	sne.s32 s1, $0x0;
	_ =	strace $0x90000047  }
0x74: {  	s0 =	sadd.s32 @!p0 $0x100000, s0;
	[bflag:$0x2] =	sbarrier.arrive $0xFFFF  }
0x75: {  	[sflag:s0] =	ssyncadd.tile.s32 @!p0 $0x1;
	_ =	shalt  }
.Lfunc_end2:
_tile_overlayer_lowered:
.L_overlay_start_2:
0x76: {  	(tag) =	ssettag $0x2  }
0x77: {  	s0 =	rddreg [dreg:$0x0];
	s2 =	stileid.u32  }
0x78: {  	s1 =	rddreg [dreg:$0x1];
	p0 =	sne.s32 s2, $0x0  }
0x79: {  	s3 =	rddreg [dreg:$0x2];
	[bflag:$0x3] =	sbarrier.arrive $0xFFFF;
	s2 =	simm.s32 @!p0 $0x1C02  }
0x7a: {  	[timem:s3], [sflag:s2] =	dma.local @!p0 [hbm:s0], s1  }
0x7b: {  	s0 =	simm.s32 @!p0 $0x2  }
0x7c: {  	_ =	swait.ge @!p0 [sflag:s0], s1  }
0x7d: {  	s1 =	ssub.s32 @!p0 $0x0, s1;
	[sflag:s0] =	ssyncset.done @!p0 $0x0  }
0x7e: {  	[sflag:s0] =	ssyncadd.s32 @!p0 s1  }
0x7f: {  	[bflag:$0x3] =	sbarrier.arrive $0xFFFF  }
0x80: {  	_ =	shalt  }

// kernel: kernel.14.cloned.1.call-start
scs
__scs_entry_jumppad:
0x0: {  	(pc) =	sbr.rel $0x88, $3  }
0x1: {  	(tag) =	ssettag $0x0;
	lr =	simm.s32 $0x1  }
0x2: {  	[smem:$0x3F9E] =	sst lr;
	_ =	strace $0xD0000000  }
0x3: {  	_ = 	snop  }
0x4: {  	_ = 	snop  }
0x5: {  	_ = 	snop  }
0x6: {  	_ = 	snop  }
0x7: {  	_ = 	snop  }
__scs_overlays_trampoline_lowered:
0x8: {  	[smem:$0x3FAD] =	sst s0  }
0x9: {  	[smem:$0x3FAE] =	sst s1  }
0xa: {  	[smem:$0x3FAF] =	sst s2  }
0xb: {  	[smem:$0x3FB0] =	sst s3  }
0xc: {  	[smem:$0x3FB1] =	sst s4  }
0xd: {  	[smem:$0x3FB2] =	sst s5  }
0xe: {  	[smem:$0x3FB3] =	sst s6  }
0xf: {  	[smem:$0x3FB4] =	sst s7  }
0x10: {  	[smem:$0x3FB5] =	sst s8  }
0x11: {  	[smem:$0x3FB6] =	sst s9;
	s0 =	simm.s32 @!p0 $0x0  }
0x12: {  	s1 =	sld [smem:$0x3F9C];
	s0 =	simm.s32 @p0 $0x1  }
0x13: {  	[smem:$0x3FB7] =	sst s0;
	s0 =	simm.s32 @!p1 $0x0  }
0x14: {  	s2 =	sld [smem:$0x3F9B];
	s0 =	simm.s32 @p1 $0x1  }
0x15: {  	[smem:$0x3FB8] =	sst s0;
	s0 =	simm.s32 @!p2 $0x0  }
0x16: {  	s3 =	sld [smem:$0x3FDB];
	s0 =	simm.s32 @p2 $0x1  }
0x17: {  	s4 =	simm.s32 $0x1BF5;
	[smem:$0x3FBA] =	sst s0  }
0x18: {  	s0 =	sld [smem:$0x3F9D];
	_ =	swait.ge [sflag:s4], $0x0  }
0x19: {  	s7 =	sld [smem:$0x3F9E]  }
0x1a: {  	s8 =	sadd.s32 $0xFFFFE003, lr  }
0x1b: {  	s9 =	sadd.s32 $0xFFFFFEF7, lr;
	s5 =	simm.s32 $0xFFFFFFFF;
	p2 =	slt.u32 s8, $0xFFFFF086  }
0x1c: {  	p1 =	slt.u32 s9, $0xF7A;
	s5 =	simm.s32 @!p2 $0x0  }
0x1d: {  	s5 =	simm.s32 @p1 $0x1;
	p0 =	seq.s32 s7, s2  }
0x1e: {  	s7 =	smul.u32 @!p0 $0xF7A, s2;
	p2 =	seq.s32 @!p0 s5, $0x0  }
0x1f: {  	s9 =	smul.u32 $0xF7A, s1;
	s8 =	simm.s32 @!p0 $0x1BF5;
	p2 =	por !p2, p0  }
0x20: {  	[sflag:s8] =	ssyncset.s32 @!p0 $0xFFFFF086;
	s6 =	sadd.s32 @!p0 s3, s7;
	s7 =	simm.s32 @!p0 $0x108  }
0x21: {  	s3 =	sadd.s32 s3, s9;
	s6 =	sadd.s32 @!p0 $0x88, s6;
	s7 =	simm.s32 @p2 $0x1082  }
0x22: {  	[simem:s7], [sflag:s8] =	dma.local @!p0 [hbm:s6], $0xF7A  }
0x23: {  	s9 =	sor.u32 $0xD0000000, s2;
	s6 =	simm.s32 $0x108;
	_ =	swait.ge @!p0 [sflag:s8], $0x0  }
0x24: {  	s3 =	sadd.s32 $0x88, s3;
	s6 =	simm.s32 @!p1 $0x1082;
	[sflag:s4] =	ssyncset.s32 $0xFFFFF086  }
0x25: {  	[simem:s6], [sflag:s4] =	dma.local [hbm:s3], $0xF7A  }
0x26: {  	[smem:$0x3F9E] =	sst s1;
	(tag) =	ssettag s2;
	_ =	strace s9  }
0x27: {  	s1 =	sld [smem:$0x3FAE]  }
0x28: {  	s2 =	sld [smem:$0x3FAF]  }
0x29: {  	s4 =	sld [smem:$0x3FB1]  }
0x2a: {  	p0 =	seq.s32 s5, $0x0;
	s5 =	sld [smem:$0x3FB2]  }
0x2b: {  	s6 =	sld [smem:$0x3FB3]  }
0x2c: {  	s7 =	sld [smem:$0x3FB4]  }
0x2d: {  	s3 =	simm.s32 $0x108;
	s8 =	sld [smem:$0x3FB5]  }
0x2e: {  	s3 =	simm.s32 @!p0 $0x1082;
	s9 =	sld [smem:$0x3FB6]  }
0x2f: {  	lr =	sadd.s32 s0, s3;
	s0 =	sld [smem:$0x3FAD]  }
0x30: {  	s3 =	sld [smem:$0x3FB0]  }
0x31: {  	[smem:$0x3FB9] =	sst s10  }
0x32: {  	s10 =	sld [smem:$0x3FB7];
	_ =	sdelay $0x3  }
0x33: {  	p0 =	seq.s32 s10, $0x1;
	s10 =	sld [smem:$0x3FB9];
	_ =	sdelay $0x3  }
0x34: {  	[smem:$0x3FB9] =	sst s10  }
0x35: {  	s10 =	sld [smem:$0x3FB8];
	_ =	sdelay $0x3  }
0x36: {  	p1 =	seq.s32 s10, $0x1;
	s10 =	sld [smem:$0x3FB9];
	_ =	sdelay $0x3  }
0x37: {  	[smem:$0x3FB9] =	sst s10  }
0x38: {  	s10 =	sld [smem:$0x3FBA]  }
0x39: {  	_ = 	snop;
	(pc) =	sbr.ind lr, $3  }
0x3a: {  	_ = 	snop  }
0x3b: {  	_ = 	snop  }
0x3c: {  	p2 =	seq.s32 s10, $0x1;
	s10 =	sld [smem:$0x3FB9]  }
0x3d: {  	_ =	shalt  }
0x3e: {  	_ =	shalt  }
0x3f: {  	_ =	shalt  }
0x40: {  	_ =	shalt  }
0x41: {  	_ =	shalt  }
0x42: {  	_ =	shalt  }
0x43: {  	_ =	shalt  }
0x44: {  	_ =	shalt  }
0x45: {  	_ =	shalt  }
0x46: {  	_ =	shalt  }
0x47: {  	_ =	shalt  }
0x48: {  	_ =	shalt  }
0x49: {  	_ =	shalt  }
0x4a: {  	_ =	shalt  }
0x4b: {  	_ =	shalt  }
0x4c: {  	_ =	shalt  }
0x4d: {  	_ =	shalt  }
0x4e: {  	_ =	shalt  }
0x4f: {  	_ =	shalt  }
0x50: {  	_ =	shalt  }
0x51: {  	_ =	shalt  }
0x52: {  	_ =	shalt  }
0x53: {  	_ =	shalt  }
0x54: {  	_ =	shalt  }
0x55: {  	_ =	shalt  }
0x56: {  	_ =	shalt  }
0x57: {  	_ =	shalt  }
0x58: {  	_ =	shalt  }
0x59: {  	_ =	shalt  }
0x5a: {  	_ =	shalt  }
0x5b: {  	_ =	shalt  }
0x5c: {  	_ =	shalt  }
0x5d: {  	_ =	shalt  }
0x5e: {  	_ =	shalt  }
0x5f: {  	_ =	shalt  }
0x60: {  	_ =	shalt  }
0x61: {  	_ =	shalt  }
0x62: {  	_ =	shalt  }
0x63: {  	_ =	shalt  }
0x64: {  	_ =	shalt  }
0x65: {  	_ =	shalt  }
0x66: {  	_ =	shalt  }
0x67: {  	_ =	shalt  }
0x68: {  	_ =	shalt  }
0x69: {  	_ =	shalt  }
0x6a: {  	_ =	shalt  }
0x6b: {  	_ =	shalt  }
0x6c: {  	_ =	shalt  }
0x6d: {  	_ =	shalt  }
0x6e: {  	_ =	shalt  }
0x6f: {  	_ =	shalt  }
0x70: {  	_ =	shalt  }
0x71: {  	_ =	shalt  }
0x72: {  	_ =	shalt  }
0x73: {  	_ =	shalt  }
0x74: {  	_ =	shalt  }
0x75: {  	_ =	shalt  }
0x76: {  	_ =	shalt  }
0x77: {  	_ =	shalt  }
0x78: {  	_ =	shalt  }
0x79: {  	_ =	shalt  }
0x7a: {  	_ =	shalt  }
0x7b: {  	_ =	shalt  }
0x7c: {  	_ =	shalt  }
0x7d: {  	_ =	shalt  }
0x7e: {  	_ =	shalt  }
0x7f: {  	_ =	shalt  }
0x80: {  	_ =	shalt  }
0x81: {  	_ =	shalt  }
0x82: {  	_ =	shalt  }
0x83: {  	_ =	shalt  }
0x84: {  	_ =	shalt  }
0x85: {  	_ =	shalt  }
0x86: {  	_ =	shalt  }
0x87: {  	_ =	shalt  }
.Lfunc_end0:
.L_simem_size_0:
called_computation.1_lowered:
.L_overlay_start_0:
0x88: {  	s2 =	sld [smem:$0x3FD9]  }
0x89: {  	s3 =	sld [smem:$0x3FFE];
	_ =	sdelay $0x1  }
0x8a: {  	s1 =	srdreg.scid  }
0x8b: {  	s0 =	sand.u32 $0x1, s1  }
0x8c: {  	s17 =	sshll.u32 s0, $0xA;
	s2 =	sadd.s32 s3, s2  }
0x8d: {  	s2 =	sadd.s32 s2, s17  }
0x8e: {  	[smem:$0x3FC5] =	sst s2  }
0x8f: {  	_ = 	snop  }
0x90: {  	(tm) =	ssettm $0x1  }
0x91: {  	s18 =	sld [smem:$0x3FFB];
	_ =	sdelay $0x3  }
0x92: {  	_ =	strace s18  }
0x93: {  	s2 =	sld [smem:$0x3FFC];
	_ =	sdelay $0x3  }
0x94: {  	_ =	strace s2  }
0x95: {  	s2 =	sld [smem:$0x3FFD];
	_ =	sdelay $0x3  }
0x96: {  	_ =	strace s2  }
0x97: {  	_ =	strace $0x8FFFFFFF  }
0x98: {  	s19 =	sld [smem:$0x3FDB];
	_ =	sdelay $0x1  }
0x99: {  	s20 =	simm.s32 $_scs_section_size  }
0x9a: {  	s4 =	simm.s32 $_size__tile_overlayer_lowered;
	s5 =	simm.s32 $_tile_overlayer_lowered  }
0x9b: {  	s6 =	simm.s32 $0x1BFF;
	s21 =	sshll.u32 s5, $0x1;
	s3 =	sadd.s32 s20, s19  }
0x9c: {  	s22 =	simm.s32 $0x0;
	s4 =	sshll.u32 s4, $0x1;
	s5 =	sadd.s32 s21, s3  }
0x9d: {  	[timem:s22], [sflag:s6] =	dma.local [hbm:s5], s4  }
0x9e: {  	_ =	swait.ge [sflag:s6], s4  }
0x9f: {  	s4 =	ssub.s32 $0x0, s4;
	[sflag:s6] =	ssyncset.done $0x0  }
0xa0: {  	[sflag:s6] =	ssyncadd.s32 s4;
	_ =	sdelay $0x1  }
0xa1: {  	s23 =	simm.s32 $0x1B8B  }
0xa2: {  	_ =	swait.ge [sflag:s23], $0x1  }
0xa3: {  	[sflag:s23] =	ssyncset.done $0x0  }
0xa4: {  	[sflag:s23] =	ssyncadd.s32 $0xFFFFFFFF  }
0xa5: {  	s4 =	sld [smem:$0x0]  }
0xa6: {  	s5 =	sand.u32 $0xFFFFFFFE, s1  }
0xa7: {  	p0 =	sne.s32 s1, s5  }
0xa8: {  	s5 =	sshll.u32 @p0 s5, $0xE  }
0xa9: {  	s5 =	sadd.s32 @p0 $0x11B8D, s5;
	s6 =	sshll.u32 @p0 s4, $0x11  }
0xaa: {  	s5 =	sor.u32 @p0 s6, s5  }
0xab: {  	[sflag:s5] =	ssyncadd.remote.s32 @p0 $0x1;
	_ =	sdelay $0x1  }
0xac: {  	s5 =	simm.s32 @p0 $0x1B8D  }
0xad: {  	_ =	swait.eq @p0 [sflag:s5], $0x1  }
0xae: {  	[sflag:s5] =	ssyncadd.s32 @p0 $0xFFFFFFFF  }
0xaf: {  	s6 =	sshll.u32 @!p0 s1, $0xE  }
0xb0: {  	s6 =	sor.u32 @!p0 $0x4000, s6;
	s5 =	simm.s32 @!p0 $0x1B8D  }
0xb1: {  	s4 =	sshll.u32 @!p0 s4, $0x11;
	s6 =	sadd.s32 @!p0 $0x11B8D, s6;
	_ =	swait.eq @!p0 [sflag:s5], $0x1  }
0xb2: {  	s4 =	sor.u32 @!p0 s4, s6;
	[sflag:s5] =	ssyncadd.s32 @!p0 $0xFFFFFFFF  }
0xb3: {  	s25 =	simm.s32 $0x1B8E;
	s24 =	sld [smem:$0x3FFE];
	[sflag:s4] =	ssyncadd.remote.s32 @!p0 $0x1  }
0xb4: {  	s26 =	simm.s32 $execute0_lowered;
	[smem:$0x3FD2] =	sst s25  }
0xb5: {  	s5 =	sshll.u32 s26, $0x1;
	_ =	strace $0x80000049;
	[dreg:$0x1] =	wrdreg $0xFFFFFFFF  }
0xb6: {  	s28 =	simm.s32 $_size_execute0_lowered;
	s3 =	sadd.s32 s3, s5;
	[dreg:$0x0] =	wrdreg $0x0  }
0xb7: {  	s5 =	sshll.u32 s28, $0x1;
	[dreg:$0x2] =	wrdreg s3  }
0xb8: {  	[dreg:$0x3] =	wrdreg s5  }
0xb9: {  	[dreg:$0x4] =	wrdreg $0xC0  }
0xba: {  	_ =	task [dreg:s22], $0x5FFFF  }
0xbb: {  	[dreg:$0x1] =	wrdreg $0xFFFFFFFF  }
0xbc: {  	[dreg:$0x0] =	wrdreg $0x60  }
0xbd: {  	[dreg:$0x2] =	wrdreg s24  }
0xbe: {  	[dreg:$0x3] =	wrdreg $0xA  }
0xbf: {  	_ =	task.clear_ibuf [dreg:s22], $0x4FFFF;
	_ =	strace $0x90000049  }
0xc0: {  	s29 =	simm.s32 $0xA;
	_ =	strace $0x8000004B  }
0xc1: {  	_ =	swait.ge [sflag:s29], $0x1  }
0xc2: {  	[sflag:s29] =	ssyncadd.s32 $0xFFFFFFFF  }
0xc3: {  	_ =	strace $0x9000004B  }
0xc4: {  	_ =	sfence  }
0xc5: {  	s30 =	sld [smem:$0x0];
	_ =	sdelay $0x2  }
0xc6: {  	s31 =	sshll.u32 s1, $0xD;
	s1 =	sshrl.u32 s1, $0x2  }
0xc7: {  	s4 =	sand.u32 $0x4000, s31;
	s1 =	sadd.s32 s1, s30  }
0xc8: {  	s0 =	sor.u32 s4, s0;
	s1 =	sshll.u32 s1, $0x11  }
0xc9: {  	s0 =	sor.u32 s1, s0  }
0xca: {  	s0 =	sadd.s32 $0x8F2B, s0  }
0xcb: {  	[sflag:s0] =	ssyncadd.remote.s32 $0x1  }
0xcc: {  	_ =	sfence.sel $0xFFFF  }
0xcd: {  	[dreg:$0x0] =	wrdreg $0xFFFFFFFF;
	(pc) =	sbr.abs _section_cstart, $3  }
0xce: {  	[dreg:$0x1] =	wrdreg $0xFFFFFFFF  }
0xcf: {  	_ =	task.clear_ibuf [dreg:s22], $0x2FFFF;
	_ =	strace $0x9FFFFFFF  }
0xd0: {  	(tm) =	ssettm $0x7FFFFFFF  }
0xd1: {  	_ =	shalt  }
tec
execute0_lowered:
.L_overlay_start_1:
0x0: {  	(tag) =	ssettag $0x1  }
0x1: {  	s4 =	rddreg [dreg:$0x0]  }
0x2: {  	s0 =	rddreg [dreg:$0x1]  }
0x3: {  	s3 =	srdreg.scid;
	s1 =	stileid.u32  }
0x4: {  	s2 =	simm.s32 $0x0;
	s10 =	simm.s32 $0x2280;
	s11 =	simm.s32 $0x100  }
0x5: {  	s12 =	simm.s32 $0x4280;
	s13 =	simm.s32 $0x180;
	s14 =	simm.s32 $0x6280  }
0x6: {  	s15 =	simm.s32 $0x200;
	s16 =	simm.s32 $0x8280;
	s17 =	simm.s32 $0x1  }
0x7: {  	s18 =	simm.s32 $0x0;
	s5 =	sand.u32 $0x1, s3;
	s6 =	smul.u32 $0x3200, s1  }
0x8: {  	[smem:$0x7FF] =	sst s2;
	s3 =	sadd.s32 $0xDDA00, s4;
	s7 =	smul.u32 $0x1900, s5  }
0x9: {  	s30 =	smul.u32 $0x19000, s1;
	_ =	strace $0x8000004A;
	s8 =	ssub.s32 $0x2, s5  }
0xa: {  	s5 =	smul.u32 $0xC800, s5;
	s9 =	sshrl.u32 s8, $0x1;
	s6 =	sadd.s32 s7, s6  }
0xb: {  	s7 =	sadd.s32 s30, s4;
	s31 =	ssub.s32 s8, s9;
	s6 =	sadd.s32 $0x32000, s6  }
0xc: {  	s8 =	simm.s32 $0x80;
	s9 =	simm.s32 $0x280;
	s6 =	sshrl.u32 s6, $0x3  }
0xd: {  	s5 =	sadd.s32 s5, s7;
	s7 =	simm.s32 $0x2;
	s6 =	sadd.s32 s6, s4  }
0xe: {  	s5 =	sadd.s32 $0x1B4800, s5;
	s4 =	smax.u32 s31, $0x1;
	s6 =	sadd.s32 $0xC4A00, s6  }
.LBB2_1:
0xf: {  	s19 =	sadd.s32 $0x0, s6  }
0x10: {  	[tilespmem:s2], [sflag:$0x2] =	stream.linear.gather [hbm4b:s19+s2], $0x280, $0x38;
	[tilespmem:$0xA280] =	vst v63  }
0x11: {  	_ =	swait.ge [sflag:s7], $0x280  }
0x12: {  	[sflag:s7] =	ssyncset.done $0x0  }
0x13: {  	[sflag:s7] =	ssyncadd.s32 $0xFFFFFD80  }
0x14: {  	[tilespmem:s9], [sflag:$0x1] =	stream.indirect.gather [hbm4b:s3+s8], $0x40, s2, s8, $0xb8;
	[tilespmem:$0xA280] =	vst v63  }
0x15: {  	_ = 	snop  }
0x16: {  	[tilespmem:s10], [sflag:$0x1] =	stream.indirect.gather [hbm4b:s3+s8], $0x40, s8, s8, $0xb8;
	[tilespmem:$0xA280] =	vst v63  }
0x17: {  	_ = 	snop  }
0x18: {  	[tilespmem:s12], [sflag:$0x1] =	stream.indirect.gather [hbm4b:s3+s8], $0x40, s11, s8, $0xb8;
	[tilespmem:$0xA280] =	vst v63  }
0x19: {  	_ = 	snop  }
0x1a: {  	[tilespmem:s14], [sflag:$0x1] =	stream.indirect.gather [hbm4b:s3+s8], $0x40, s13, s8, $0xb8;
	[tilespmem:$0xA280] =	vst v63  }
0x1b: {  	_ = 	snop  }
0x1c: {  	[tilespmem:s16], [sflag:$0x1] =	stream.indirect.gather [hbm4b:s3+s8], $0x40, s15, s8, $0xb8;
	[tilespmem:$0xA280] =	vst v63  }
0x1d: {  	_ =	swait.ge [sflag:s17], $0x2000  }
0x1e: {  	[sflag:s17] =	ssyncset.done $0x0  }
0x1f: {  	[sflag:s17] =	ssyncadd.s32 $0xFFFFE000  }
0x20: {  	_ =	swait.ge [sflag:s17], $0x2000  }
0x21: {  	[sflag:s17] =	ssyncset.done $0x0  }
0x22: {  	[sflag:s17] =	ssyncadd.s32 $0xFFFFE000  }
0x23: {  	_ =	swait.ge [sflag:s17], $0x2000  }
0x24: {  	[sflag:s17] =	ssyncset.done $0x0  }
0x25: {  	[sflag:s17] =	ssyncadd.s32 $0xFFFFE000  }
0x26: {  	_ =	swait.ge [sflag:s17], $0x2000  }
0x27: {  	[sflag:s17] =	ssyncset.done $0x0  }
0x28: {  	[sflag:s17] =	ssyncadd.s32 $0xFFFFE000  }
0x29: {  	_ =	swait.ge [sflag:s17], $0x2000  }
0x2a: {  	[sflag:s17] =	ssyncset.done $0x0  }
0x2b: {  	[sflag:s17] =	ssyncadd.s32 $0xFFFFE000  }
0x2c: {  	[hbm4b:s5+s2] =	stream.linear.scatter [tilespmem:s9], [sflag:$0x2], $0xA000, $0x38;
	[tilespmem:$0xA280] =	vst v63  }
0x2d: {  	s20 =	simm.s32 $0x50;
	_ =	swait.ge [sflag:s7], $0xA000  }
0x2e: {  	s21 =	simm.s32 $0xA0;
	s19 =	sadd.s32 $0x1400, s5;
	[sflag:s7] =	ssyncset.done $0x0  }
.LBB2_2:
0x2f: {  	s22 =	sadd.s32 s20, s6  }
0x30: {  	[sflag:s7] =	ssyncadd.s32 $0xFFFF6000;
	s20 =	smov.u32 s21;
	s23 =	sadd.s32 $0x50, s21  }
0x31: {  	[tilespmem:s2], [sflag:$0x2] =	stream.linear.gather [hbm4b:s22+s2], $0x280, $0x38;
	[tilespmem:$0xA280] =	vst v63  }
0x32: {  	p0 =	sne.s32 s21, $0x2D0;
	_ =	swait.ge [sflag:s7], $0x280  }
0x33: {  	[sflag:s7] =	ssyncset.done $0x0  }
0x34: {  	[sflag:s7] =	ssyncadd.s32 $0xFFFFFD80  }
0x35: {  	[tilespmem:s9], [sflag:$0x1] =	stream.indirect.gather [hbm4b:s3+s8], $0x40, s2, s8, $0xb8;
	[tilespmem:$0xA280] =	vst v63  }
0x36: {  	_ = 	snop  }
0x37: {  	[tilespmem:s10], [sflag:$0x1] =	stream.indirect.gather [hbm4b:s3+s8], $0x40, s8, s8, $0xb8;
	[tilespmem:$0xA280] =	vst v63  }
0x38: {  	_ = 	snop  }
0x39: {  	[tilespmem:s12], [sflag:$0x1] =	stream.indirect.gather [hbm4b:s3+s8], $0x40, s11, s8, $0xb8;
	[tilespmem:$0xA280] =	vst v63  }
0x3a: {  	_ = 	snop  }
0x3b: {  	[tilespmem:s14], [sflag:$0x1] =	stream.indirect.gather [hbm4b:s3+s8], $0x40, s13, s8, $0xb8;
	[tilespmem:$0xA280] =	vst v63  }
0x3c: {  	_ = 	snop  }
0x3d: {  	[tilespmem:s16], [sflag:$0x1] =	stream.indirect.gather [hbm4b:s3+s8], $0x40, s15, s8, $0xb8;
	[tilespmem:$0xA280] =	vst v63  }
0x3e: {  	_ =	swait.ge [sflag:s17], $0x2000  }
0x3f: {  	[sflag:s17] =	ssyncset.done $0x0  }
0x40: {  	[sflag:s17] =	ssyncadd.s32 $0xFFFFE000  }
0x41: {  	_ =	swait.ge [sflag:s17], $0x2000  }
0x42: {  	[sflag:s17] =	ssyncset.done $0x0  }
0x43: {  	[sflag:s17] =	ssyncadd.s32 $0xFFFFE000  }
0x44: {  	_ =	swait.ge [sflag:s17], $0x2000  }
0x45: {  	[sflag:s17] =	ssyncset.done $0x0  }
0x46: {  	[sflag:s17] =	ssyncadd.s32 $0xFFFFE000  }
0x47: {  	_ =	swait.ge [sflag:s17], $0x2000  }
0x48: {  	[sflag:s17] =	ssyncset.done $0x0  }
0x49: {  	[sflag:s17] =	ssyncadd.s32 $0xFFFFE000  }
0x4a: {  	_ =	swait.ge [sflag:s17], $0x2000  }
.Ltmp0:
0x4b: {  	[sflag:s17] =	ssyncset.done $0x0;
	(pc) =	sbr.rel @p0 .LBB2_2-.Ltmp0, $4  }
0x4c: {  	[sflag:s17] =	ssyncadd.s32 $0xFFFFE000  }
0x4d: {  	[hbm4b:s19+s2] =	stream.linear.scatter [tilespmem:s9], [sflag:$0x2], $0xA000, $0x38;
	[tilespmem:$0xA280] =	vst v63  }
0x4e: {  	_ =	swait.ge [sflag:s7], $0xA000  }
0x4f: {  	s21 =	smov.u32 s23;
	s19 =	sadd.s32 $0x1400, s19;
	[sflag:s7] =	ssyncset.done $0x0  }
0x50: {  	s20 =	sadd.s32 s20, s6;
	[sflag:s7] =	ssyncadd.s32 $0xFFFF6000  }
0x51: {  	[tilespmem:s2], [sflag:$0x2] =	stream.linear.gather [hbm4b:s20+s2], $0x280, $0x38;
	[tilespmem:$0xA280] =	vst v63  }
0x52: {  	_ =	swait.ge [sflag:s7], $0x280  }
0x53: {  	[sflag:s7] =	ssyncset.done $0x0  }
0x54: {  	[sflag:s7] =	ssyncadd.s32 $0xFFFFFD80  }
0x55: {  	[tilespmem:s9], [sflag:$0x1] =	stream.indirect.gather [hbm4b:s3+s8], $0x40, s2, s8, $0xb8;
	[tilespmem:$0xA280] =	vst v63  }
0x56: {  	_ = 	snop  }
0x57: {  	[tilespmem:s10], [sflag:$0x1] =	stream.indirect.gather [hbm4b:s3+s8], $0x40, s8, s8, $0xb8;
	[tilespmem:$0xA280] =	vst v63  }
0x58: {  	_ = 	snop  }
0x59: {  	[tilespmem:s12], [sflag:$0x1] =	stream.indirect.gather [hbm4b:s3+s8], $0x40, s11, s8, $0xb8;
	[tilespmem:$0xA280] =	vst v63  }
0x5a: {  	_ = 	snop  }
0x5b: {  	[tilespmem:s14], [sflag:$0x1] =	stream.indirect.gather [hbm4b:s3+s8], $0x40, s13, s8, $0xb8;
	[tilespmem:$0xA280] =	vst v63  }
0x5c: {  	_ = 	snop  }
0x5d: {  	[tilespmem:s16], [sflag:$0x1] =	stream.indirect.gather [hbm4b:s3+s8], $0x40, s15, s8, $0xb8;
	[tilespmem:$0xA280] =	vst v63  }
0x5e: {  	_ =	swait.ge [sflag:s17], $0x2000  }
0x5f: {  	[sflag:s17] =	ssyncset.done $0x0  }
0x60: {  	[sflag:s17] =	ssyncadd.s32 $0xFFFFE000  }
0x61: {  	_ =	swait.ge [sflag:s17], $0x2000  }
0x62: {  	[sflag:s17] =	ssyncset.done $0x0  }
0x63: {  	[sflag:s17] =	ssyncadd.s32 $0xFFFFE000  }
0x64: {  	_ =	swait.ge [sflag:s17], $0x2000  }
0x65: {  	[sflag:s17] =	ssyncset.done $0x0  }
0x66: {  	[sflag:s17] =	ssyncadd.s32 $0xFFFFE000  }
0x67: {  	_ =	swait.ge [sflag:s17], $0x2000  }
0x68: {  	[sflag:s17] =	ssyncset.done $0x0  }
0x69: {  	[sflag:s17] =	ssyncadd.s32 $0xFFFFE000  }
0x6a: {  	s18 =	sadd.s32 $0x1, s18;
	_ =	swait.ge [sflag:s17], $0x2000  }
0x6b: {  	p0 =	sne.s32 s18, s4;
	[sflag:s17] =	ssyncset.done $0x0  }
.Ltmp1:
0x6c: {  	[sflag:s17] =	ssyncadd.s32 $0xFFFFE000;
	(pc) =	sbr.rel @p0 .LBB2_1-.Ltmp1, $4  }
0x6d: {  	[hbm4b:s19+s2] =	stream.linear.scatter [tilespmem:s9], [sflag:$0x2], $0xA000, $0x38;
	[tilespmem:$0xA280] =	vst v63  }
0x6e: {  	_ =	swait.ge [sflag:s7], $0xA000  }
0x6f: {  	[sflag:s7] =	ssyncset.done $0x0  }
0x70: {  	[sflag:s7] =	ssyncadd.s32 $0xFFFF6000  }
0x71: {  	_ =	sfence.sel $0x180000  }
0x72: {  	[bflag:$0x0] =	sbarrier.arrive $0xFFFF  }
0x73: {  	p0 =	sne.s32 s1, $0x0;
	_ =	strace $0x9000004A  }
0x74: {  	s0 =	sadd.s32 @!p0 $0x100000, s0;
	[bflag:$0x2] =	sbarrier.arrive $0xFFFF  }
0x75: {  	[sflag:s0] =	ssyncadd.tile.s32 @!p0 $0x1;
	_ =	shalt  }
.Lfunc_end2:
_tile_overlayer_lowered:
.L_overlay_start_2:
0x76: {  	(tag) =	ssettag $0x2  }
0x77: {  	s0 =	rddreg [dreg:$0x0];
	s2 =	stileid.u32  }
0x78: {  	s1 =	rddreg [dreg:$0x1];
	p0 =	sne.s32 s2, $0x0  }
0x79: {  	s3 =	rddreg [dreg:$0x2];
	[bflag:$0x3] =	sbarrier.arrive $0xFFFF;
	s2 =	simm.s32 @!p0 $0x1C02  }
0x7a: {  	[timem:s3], [sflag:s2] =	dma.local @!p0 [hbm:s0], s1  }
0x7b: {  	s0 =	simm.s32 @!p0 $0x2  }
0x7c: {  	_ =	swait.ge @!p0 [sflag:s0], s1  }
0x7d: {  	s1 =	ssub.s32 @!p0 $0x0, s1;
	[sflag:s0] =	ssyncset.done @!p0 $0x0  }
0x7e: {  	[sflag:s0] =	ssyncadd.s32 @!p0 s1  }
0x7f: {  	[bflag:$0x3] =	sbarrier.arrive $0xFFFF  }
0x80: {  	_ =	shalt  }

// kernel: kernel.17.cloned.1.call-start
scs
__scs_entry_jumppad:
0x0: {  	(pc) =	sbr.rel $0x88, $3  }
0x1: {  	(tag) =	ssettag $0x0;
	lr =	simm.s32 $0x1  }
0x2: {  	[smem:$0x3F9E] =	sst lr;
	_ =	strace $0xD0000000  }
0x3: {  	_ = 	snop  }
0x4: {  	_ = 	snop  }
0x5: {  	_ = 	snop  }
0x6: {  	_ = 	snop  }
0x7: {  	_ = 	snop  }
__scs_overlays_trampoline_lowered:
0x8: {  	[smem:$0x3FAD] =	sst s0  }
0x9: {  	[smem:$0x3FAE] =	sst s1  }
0xa: {  	[smem:$0x3FAF] =	sst s2  }
0xb: {  	[smem:$0x3FB0] =	sst s3  }
0xc: {  	[smem:$0x3FB1] =	sst s4  }
0xd: {  	[smem:$0x3FB2] =	sst s5  }
0xe: {  	[smem:$0x3FB3] =	sst s6  }
0xf: {  	[smem:$0x3FB4] =	sst s7  }
0x10: {  	[smem:$0x3FB5] =	sst s8  }
0x11: {  	[smem:$0x3FB6] =	sst s9;
	s0 =	simm.s32 @!p0 $0x0  }
0x12: {  	s1 =	sld [smem:$0x3F9C];
	s0 =	simm.s32 @p0 $0x1  }
0x13: {  	[smem:$0x3FB7] =	sst s0;
	s0 =	simm.s32 @!p1 $0x0  }
0x14: {  	s2 =	sld [smem:$0x3F9B];
	s0 =	simm.s32 @p1 $0x1  }
0x15: {  	[smem:$0x3FB8] =	sst s0;
	s0 =	simm.s32 @!p2 $0x0  }
0x16: {  	s3 =	sld [smem:$0x3FDB];
	s0 =	simm.s32 @p2 $0x1  }
0x17: {  	s4 =	simm.s32 $0x1BF5;
	[smem:$0x3FBA] =	sst s0  }
0x18: {  	s0 =	sld [smem:$0x3F9D];
	_ =	swait.ge [sflag:s4], $0x0  }
0x19: {  	s7 =	sld [smem:$0x3F9E]  }
0x1a: {  	s8 =	sadd.s32 $0xFFFFE003, lr  }
0x1b: {  	s9 =	sadd.s32 $0xFFFFFEF7, lr;
	s5 =	simm.s32 $0xFFFFFFFF;
	p2 =	slt.u32 s8, $0xFFFFF086  }
0x1c: {  	p1 =	slt.u32 s9, $0xF7A;
	s5 =	simm.s32 @!p2 $0x0  }
0x1d: {  	s5 =	simm.s32 @p1 $0x1;
	p0 =	seq.s32 s7, s2  }
0x1e: {  	s7 =	smul.u32 @!p0 $0xF7A, s2;
	p2 =	seq.s32 @!p0 s5, $0x0  }
0x1f: {  	s9 =	smul.u32 $0xF7A, s1;
	s8 =	simm.s32 @!p0 $0x1BF5;
	p2 =	por !p2, p0  }
0x20: {  	[sflag:s8] =	ssyncset.s32 @!p0 $0xFFFFF086;
	s6 =	sadd.s32 @!p0 s3, s7;
	s7 =	simm.s32 @!p0 $0x108  }
0x21: {  	s3 =	sadd.s32 s3, s9;
	s6 =	sadd.s32 @!p0 $0x88, s6;
	s7 =	simm.s32 @p2 $0x1082  }
0x22: {  	[simem:s7], [sflag:s8] =	dma.local @!p0 [hbm:s6], $0xF7A  }
0x23: {  	s9 =	sor.u32 $0xD0000000, s2;
	s6 =	simm.s32 $0x108;
	_ =	swait.ge @!p0 [sflag:s8], $0x0  }
0x24: {  	s3 =	sadd.s32 $0x88, s3;
	s6 =	simm.s32 @!p1 $0x1082;
	[sflag:s4] =	ssyncset.s32 $0xFFFFF086  }
0x25: {  	[simem:s6], [sflag:s4] =	dma.local [hbm:s3], $0xF7A  }
0x26: {  	[smem:$0x3F9E] =	sst s1;
	(tag) =	ssettag s2;
	_ =	strace s9  }
0x27: {  	s1 =	sld [smem:$0x3FAE]  }
0x28: {  	s2 =	sld [smem:$0x3FAF]  }
0x29: {  	s4 =	sld [smem:$0x3FB1]  }
0x2a: {  	p0 =	seq.s32 s5, $0x0;
	s5 =	sld [smem:$0x3FB2]  }
0x2b: {  	s6 =	sld [smem:$0x3FB3]  }
0x2c: {  	s7 =	sld [smem:$0x3FB4]  }
0x2d: {  	s3 =	simm.s32 $0x108;
	s8 =	sld [smem:$0x3FB5]  }
0x2e: {  	s3 =	simm.s32 @!p0 $0x1082;
	s9 =	sld [smem:$0x3FB6]  }
0x2f: {  	lr =	sadd.s32 s0, s3;
	s0 =	sld [smem:$0x3FAD]  }
0x30: {  	s3 =	sld [smem:$0x3FB0]  }
0x31: {  	[smem:$0x3FB9] =	sst s10  }
0x32: {  	s10 =	sld [smem:$0x3FB7];
	_ =	sdelay $0x3  }
0x33: {  	p0 =	seq.s32 s10, $0x1;
	s10 =	sld [smem:$0x3FB9];
	_ =	sdelay $0x3  }
0x34: {  	[smem:$0x3FB9] =	sst s10  }
0x35: {  	s10 =	sld [smem:$0x3FB8];
	_ =	sdelay $0x3  }
0x36: {  	p1 =	seq.s32 s10, $0x1;
	s10 =	sld [smem:$0x3FB9];
	_ =	sdelay $0x3  }
0x37: {  	[smem:$0x3FB9] =	sst s10  }
0x38: {  	s10 =	sld [smem:$0x3FBA]  }
0x39: {  	_ = 	snop;
	(pc) =	sbr.ind lr, $3  }
0x3a: {  	_ = 	snop  }
0x3b: {  	_ = 	snop  }
0x3c: {  	p2 =	seq.s32 s10, $0x1;
	s10 =	sld [smem:$0x3FB9]  }
0x3d: {  	_ =	shalt  }
0x3e: {  	_ =	shalt  }
0x3f: {  	_ =	shalt  }
0x40: {  	_ =	shalt  }
0x41: {  	_ =	shalt  }
0x42: {  	_ =	shalt  }
0x43: {  	_ =	shalt  }
0x44: {  	_ =	shalt  }
0x45: {  	_ =	shalt  }
0x46: {  	_ =	shalt  }
0x47: {  	_ =	shalt  }
0x48: {  	_ =	shalt  }
0x49: {  	_ =	shalt  }
0x4a: {  	_ =	shalt  }
0x4b: {  	_ =	shalt  }
0x4c: {  	_ =	shalt  }
0x4d: {  	_ =	shalt  }
0x4e: {  	_ =	shalt  }
0x4f: {  	_ =	shalt  }
0x50: {  	_ =	shalt  }
0x51: {  	_ =	shalt  }
0x52: {  	_ =	shalt  }
0x53: {  	_ =	shalt  }
0x54: {  	_ =	shalt  }
0x55: {  	_ =	shalt  }
0x56: {  	_ =	shalt  }
0x57: {  	_ =	shalt  }
0x58: {  	_ =	shalt  }
0x59: {  	_ =	shalt  }
0x5a: {  	_ =	shalt  }
0x5b: {  	_ =	shalt  }
0x5c: {  	_ =	shalt  }
0x5d: {  	_ =	shalt  }
0x5e: {  	_ =	shalt  }
0x5f: {  	_ =	shalt  }
0x60: {  	_ =	shalt  }
0x61: {  	_ =	shalt  }
0x62: {  	_ =	shalt  }
0x63: {  	_ =	shalt  }
0x64: {  	_ =	shalt  }
0x65: {  	_ =	shalt  }
0x66: {  	_ =	shalt  }
0x67: {  	_ =	shalt  }
0x68: {  	_ =	shalt  }
0x69: {  	_ =	shalt  }
0x6a: {  	_ =	shalt  }
0x6b: {  	_ =	shalt  }
0x6c: {  	_ =	shalt  }
0x6d: {  	_ =	shalt  }
0x6e: {  	_ =	shalt  }
0x6f: {  	_ =	shalt  }
0x70: {  	_ =	shalt  }
0x71: {  	_ =	shalt  }
0x72: {  	_ =	shalt  }
0x73: {  	_ =	shalt  }
0x74: {  	_ =	shalt  }
0x75: {  	_ =	shalt  }
0x76: {  	_ =	shalt  }
0x77: {  	_ =	shalt  }
0x78: {  	_ =	shalt  }
0x79: {  	_ =	shalt  }
0x7a: {  	_ =	shalt  }
0x7b: {  	_ =	shalt  }
0x7c: {  	_ =	shalt  }
0x7d: {  	_ =	shalt  }
0x7e: {  	_ =	shalt  }
0x7f: {  	_ =	shalt  }
0x80: {  	_ =	shalt  }
0x81: {  	_ =	shalt  }
0x82: {  	_ =	shalt  }
0x83: {  	_ =	shalt  }
0x84: {  	_ =	shalt  }
0x85: {  	_ =	shalt  }
0x86: {  	_ =	shalt  }
0x87: {  	_ =	shalt  }
.Lfunc_end0:
.L_simem_size_0:
called_computation.2_lowered:
.L_overlay_start_0:
0x88: {  	s2 =	sld [smem:$0x3FD9]  }
0x89: {  	s3 =	sld [smem:$0x3FFE];
	_ =	sdelay $0x1  }
0x8a: {  	s1 =	srdreg.scid  }
0x8b: {  	s0 =	sand.u32 $0x1, s1  }
0x8c: {  	s17 =	sshll.u32 s0, $0xA;
	s2 =	sadd.s32 s3, s2  }
0x8d: {  	s2 =	sadd.s32 s2, s17  }
0x8e: {  	[smem:$0x3FC5] =	sst s2  }
0x8f: {  	_ = 	snop  }
0x90: {  	(tm) =	ssettm $0x1  }
0x91: {  	s18 =	sld [smem:$0x3FFB];
	_ =	sdelay $0x3  }
0x92: {  	_ =	strace s18  }
0x93: {  	s2 =	sld [smem:$0x3FFC];
	_ =	sdelay $0x3  }
0x94: {  	_ =	strace s2  }
0x95: {  	s2 =	sld [smem:$0x3FFD];
	_ =	sdelay $0x3  }
0x96: {  	_ =	strace s2  }
0x97: {  	_ =	strace $0x8FFFFFFF  }
0x98: {  	s19 =	sld [smem:$0x3FDB];
	_ =	sdelay $0x1  }
0x99: {  	s20 =	simm.s32 $_scs_section_size  }
0x9a: {  	s4 =	simm.s32 $_size__tile_overlayer_lowered;
	s5 =	simm.s32 $_tile_overlayer_lowered  }
0x9b: {  	s6 =	simm.s32 $0x1BFF;
	s21 =	sshll.u32 s5, $0x1;
	s3 =	sadd.s32 s20, s19  }
0x9c: {  	s22 =	simm.s32 $0x0;
	s4 =	sshll.u32 s4, $0x1;
	s5 =	sadd.s32 s21, s3  }
0x9d: {  	[timem:s22], [sflag:s6] =	dma.local [hbm:s5], s4  }
0x9e: {  	_ =	swait.ge [sflag:s6], s4  }
0x9f: {  	s4 =	ssub.s32 $0x0, s4;
	[sflag:s6] =	ssyncset.done $0x0  }
0xa0: {  	[sflag:s6] =	ssyncadd.s32 s4;
	_ =	sdelay $0x1  }
0xa1: {  	s23 =	simm.s32 $0x1B8B  }
0xa2: {  	_ =	swait.ge [sflag:s23], $0x1  }
0xa3: {  	[sflag:s23] =	ssyncset.done $0x0  }
0xa4: {  	[sflag:s23] =	ssyncadd.s32 $0xFFFFFFFF  }
0xa5: {  	s4 =	sld [smem:$0x0]  }
0xa6: {  	s5 =	sand.u32 $0xFFFFFFFE, s1  }
0xa7: {  	p0 =	sne.s32 s1, s5  }
0xa8: {  	s5 =	sshll.u32 @p0 s5, $0xE  }
0xa9: {  	s5 =	sadd.s32 @p0 $0x11B8D, s5;
	s6 =	sshll.u32 @p0 s4, $0x11  }
0xaa: {  	s5 =	sor.u32 @p0 s6, s5  }
0xab: {  	[sflag:s5] =	ssyncadd.remote.s32 @p0 $0x1;
	_ =	sdelay $0x1  }
0xac: {  	s5 =	simm.s32 @p0 $0x1B8D  }
0xad: {  	_ =	swait.eq @p0 [sflag:s5], $0x1  }
0xae: {  	[sflag:s5] =	ssyncadd.s32 @p0 $0xFFFFFFFF  }
0xaf: {  	s6 =	sshll.u32 @!p0 s1, $0xE  }
0xb0: {  	s6 =	sor.u32 @!p0 $0x4000, s6;
	s5 =	simm.s32 @!p0 $0x1B8D  }
0xb1: {  	s4 =	sshll.u32 @!p0 s4, $0x11;
	s6 =	sadd.s32 @!p0 $0x11B8D, s6;
	_ =	swait.eq @!p0 [sflag:s5], $0x1  }
0xb2: {  	s4 =	sor.u32 @!p0 s4, s6;
	[sflag:s5] =	ssyncadd.s32 @!p0 $0xFFFFFFFF  }
0xb3: {  	s25 =	simm.s32 $0x1B8E;
	s24 =	sld [smem:$0x3FFE];
	[sflag:s4] =	ssyncadd.remote.s32 @!p0 $0x1  }
0xb4: {  	s26 =	simm.s32 $execute0_lowered;
	[smem:$0x3FD2] =	sst s25  }
0xb5: {  	s5 =	sshll.u32 s26, $0x1;
	_ =	strace $0x8000004C;
	[dreg:$0x1] =	wrdreg $0xFFFFFFFF  }
0xb6: {  	s28 =	simm.s32 $_size_execute0_lowered;
	s3 =	sadd.s32 s3, s5;
	[dreg:$0x0] =	wrdreg $0x0  }
0xb7: {  	s5 =	sshll.u32 s28, $0x1;
	[dreg:$0x2] =	wrdreg s3  }
0xb8: {  	[dreg:$0x3] =	wrdreg s5  }
0xb9: {  	[dreg:$0x4] =	wrdreg $0xC0  }
0xba: {  	_ =	task [dreg:s22], $0x5FFFF  }
0xbb: {  	[dreg:$0x1] =	wrdreg $0xFFFFFFFF  }
0xbc: {  	[dreg:$0x0] =	wrdreg $0x60  }
0xbd: {  	[dreg:$0x2] =	wrdreg s24  }
0xbe: {  	[dreg:$0x3] =	wrdreg $0xB  }
0xbf: {  	_ =	task.clear_ibuf [dreg:s22], $0x4FFFF;
	_ =	strace $0x9000004C  }
0xc0: {  	s29 =	simm.s32 $0xB;
	_ =	strace $0x8000004E  }
0xc1: {  	_ =	swait.ge [sflag:s29], $0x1  }
0xc2: {  	[sflag:s29] =	ssyncadd.s32 $0xFFFFFFFF  }
0xc3: {  	_ =	strace $0x9000004E  }
0xc4: {  	_ =	sfence  }
0xc5: {  	s30 =	sld [smem:$0x0];
	_ =	sdelay $0x2  }
0xc6: {  	s31 =	sshll.u32 s1, $0xD;
	s1 =	sshrl.u32 s1, $0x2  }
0xc7: {  	s4 =	sand.u32 $0x4000, s31;
	s1 =	sadd.s32 s1, s30  }
0xc8: {  	s0 =	sor.u32 s4, s0;
	s1 =	sshll.u32 s1, $0x11  }
0xc9: {  	s0 =	sor.u32 s1, s0  }
0xca: {  	s0 =	sadd.s32 $0x8F2B, s0  }
0xcb: {  	[sflag:s0] =	ssyncadd.remote.s32 $0x1  }
0xcc: {  	_ =	sfence.sel $0xFFFF  }
0xcd: {  	[dreg:$0x0] =	wrdreg $0xFFFFFFFF;
	(pc) =	sbr.abs _section_cstart, $3  }
0xce: {  	[dreg:$0x1] =	wrdreg $0xFFFFFFFF  }
0xcf: {  	_ =	task.clear_ibuf [dreg:s22], $0x2FFFF;
	_ =	strace $0x9FFFFFFF  }
0xd0: {  	(tm) =	ssettm $0x7FFFFFFF  }
0xd1: {  	_ =	shalt  }
tec
execute0_lowered:
.L_overlay_start_1:
0x0: {  	(tag) =	ssettag $0x1  }
0x1: {  	s4 =	rddreg [dreg:$0x0]  }
0x2: {  	s0 =	rddreg [dreg:$0x1]  }
0x3: {  	s3 =	srdreg.scid;
	s1 =	stileid.u32  }
0x4: {  	s2 =	simm.s32 $0x0;
	s10 =	simm.s32 $0x2280;
	s11 =	simm.s32 $0x100  }
0x5: {  	s12 =	simm.s32 $0x4280;
	s13 =	simm.s32 $0x180;
	s14 =	simm.s32 $0x6280  }
0x6: {  	s15 =	simm.s32 $0x200;
	s16 =	simm.s32 $0x8280;
	s17 =	simm.s32 $0x1  }
0x7: {  	s18 =	simm.s32 $0x0;
	s5 =	sand.u32 $0x1, s3;
	s6 =	smul.u32 $0x3200, s1  }
0x8: {  	[smem:$0x7FF] =	sst s2;
	s3 =	sadd.s32 $0xDDA00, s4;
	s7 =	smul.u32 $0x1900, s5  }
0x9: {  	s30 =	smul.u32 $0x19000, s1;
	_ =	strace $0x8000004D;
	s8 =	ssub.s32 $0x2, s5  }
0xa: {  	s5 =	smul.u32 $0xC800, s5;
	s9 =	sshrl.u32 s8, $0x1;
	s6 =	sadd.s32 s7, s6  }
0xb: {  	s7 =	sadd.s32 s30, s4;
	s31 =	ssub.s32 s8, s9;
	s6 =	sadd.s32 $0x64000, s6  }
0xc: {  	s8 =	simm.s32 $0x80;
	s9 =	simm.s32 $0x280;
	s6 =	sshrl.u32 s6, $0x3  }
0xd: {  	s5 =	sadd.s32 s5, s7;
	s7 =	simm.s32 $0x2;
	s6 =	sadd.s32 s6, s4  }
0xe: {  	s5 =	sadd.s32 $0x344800, s5;
	s4 =	smax.u32 s31, $0x1;
	s6 =	sadd.s32 $0xC4A00, s6  }
.LBB2_1:
0xf: {  	s19 =	sadd.s32 $0x0, s6  }
0x10: {  	[tilespmem:s2], [sflag:$0x2] =	stream.linear.gather [hbm4b:s19+s2], $0x280, $0x38;
	[tilespmem:$0xA280] =	vst v63  }
0x11: {  	_ =	swait.ge [sflag:s7], $0x280  }
0x12: {  	[sflag:s7] =	ssyncset.done $0x0  }
0x13: {  	[sflag:s7] =	ssyncadd.s32 $0xFFFFFD80  }
0x14: {  	[tilespmem:s9], [sflag:$0x1] =	stream.indirect.gather [hbm4b:s3+s8], $0x40, s2, s8, $0xb8;
	[tilespmem:$0xA280] =	vst v63  }
0x15: {  	_ = 	snop  }
0x16: {  	[tilespmem:s10], [sflag:$0x1] =	stream.indirect.gather [hbm4b:s3+s8], $0x40, s8, s8, $0xb8;
	[tilespmem:$0xA280] =	vst v63  }
0x17: {  	_ = 	snop  }
0x18: {  	[tilespmem:s12], [sflag:$0x1] =	stream.indirect.gather [hbm4b:s3+s8], $0x40, s11, s8, $0xb8;
	[tilespmem:$0xA280] =	vst v63  }
0x19: {  	_ = 	snop  }
0x1a: {  	[tilespmem:s14], [sflag:$0x1] =	stream.indirect.gather [hbm4b:s3+s8], $0x40, s13, s8, $0xb8;
	[tilespmem:$0xA280] =	vst v63  }
0x1b: {  	_ = 	snop  }
0x1c: {  	[tilespmem:s16], [sflag:$0x1] =	stream.indirect.gather [hbm4b:s3+s8], $0x40, s15, s8, $0xb8;
	[tilespmem:$0xA280] =	vst v63  }
0x1d: {  	_ =	swait.ge [sflag:s17], $0x2000  }
0x1e: {  	[sflag:s17] =	ssyncset.done $0x0  }
0x1f: {  	[sflag:s17] =	ssyncadd.s32 $0xFFFFE000  }
0x20: {  	_ =	swait.ge [sflag:s17], $0x2000  }
0x21: {  	[sflag:s17] =	ssyncset.done $0x0  }
0x22: {  	[sflag:s17] =	ssyncadd.s32 $0xFFFFE000  }
0x23: {  	_ =	swait.ge [sflag:s17], $0x2000  }
0x24: {  	[sflag:s17] =	ssyncset.done $0x0  }
0x25: {  	[sflag:s17] =	ssyncadd.s32 $0xFFFFE000  }
0x26: {  	_ =	swait.ge [sflag:s17], $0x2000  }
0x27: {  	[sflag:s17] =	ssyncset.done $0x0  }
0x28: {  	[sflag:s17] =	ssyncadd.s32 $0xFFFFE000  }
0x29: {  	_ =	swait.ge [sflag:s17], $0x2000  }
0x2a: {  	[sflag:s17] =	ssyncset.done $0x0  }
0x2b: {  	[sflag:s17] =	ssyncadd.s32 $0xFFFFE000  }
0x2c: {  	[hbm4b:s5+s2] =	stream.linear.scatter [tilespmem:s9], [sflag:$0x2], $0xA000, $0x38;
	[tilespmem:$0xA280] =	vst v63  }
0x2d: {  	s20 =	simm.s32 $0x50;
	_ =	swait.ge [sflag:s7], $0xA000  }
0x2e: {  	s21 =	simm.s32 $0xA0;
	s19 =	sadd.s32 $0x1400, s5;
	[sflag:s7] =	ssyncset.done $0x0  }
.LBB2_2:
0x2f: {  	s22 =	sadd.s32 s20, s6  }
0x30: {  	[sflag:s7] =	ssyncadd.s32 $0xFFFF6000;
	s20 =	smov.u32 s21;
	s23 =	sadd.s32 $0x50, s21  }
0x31: {  	[tilespmem:s2], [sflag:$0x2] =	stream.linear.gather [hbm4b:s22+s2], $0x280, $0x38;
	[tilespmem:$0xA280] =	vst v63  }
0x32: {  	p0 =	sne.s32 s21, $0x2D0;
	_ =	swait.ge [sflag:s7], $0x280  }
0x33: {  	[sflag:s7] =	ssyncset.done $0x0  }
0x34: {  	[sflag:s7] =	ssyncadd.s32 $0xFFFFFD80  }
0x35: {  	[tilespmem:s9], [sflag:$0x1] =	stream.indirect.gather [hbm4b:s3+s8], $0x40, s2, s8, $0xb8;
	[tilespmem:$0xA280] =	vst v63  }
0x36: {  	_ = 	snop  }
0x37: {  	[tilespmem:s10], [sflag:$0x1] =	stream.indirect.gather [hbm4b:s3+s8], $0x40, s8, s8, $0xb8;
	[tilespmem:$0xA280] =	vst v63  }
0x38: {  	_ = 	snop  }
0x39: {  	[tilespmem:s12], [sflag:$0x1] =	stream.indirect.gather [hbm4b:s3+s8], $0x40, s11, s8, $0xb8;
	[tilespmem:$0xA280] =	vst v63  }
0x3a: {  	_ = 	snop  }
0x3b: {  	[tilespmem:s14], [sflag:$0x1] =	stream.indirect.gather [hbm4b:s3+s8], $0x40, s13, s8, $0xb8;
	[tilespmem:$0xA280] =	vst v63  }
0x3c: {  	_ = 	snop  }
0x3d: {  	[tilespmem:s16], [sflag:$0x1] =	stream.indirect.gather [hbm4b:s3+s8], $0x40, s15, s8, $0xb8;
	[tilespmem:$0xA280] =	vst v63  }
0x3e: {  	_ =	swait.ge [sflag:s17], $0x2000  }
0x3f: {  	[sflag:s17] =	ssyncset.done $0x0  }
0x40: {  	[sflag:s17] =	ssyncadd.s32 $0xFFFFE000  }
0x41: {  	_ =	swait.ge [sflag:s17], $0x2000  }
0x42: {  	[sflag:s17] =	ssyncset.done $0x0  }
0x43: {  	[sflag:s17] =	ssyncadd.s32 $0xFFFFE000  }
0x44: {  	_ =	swait.ge [sflag:s17], $0x2000  }
0x45: {  	[sflag:s17] =	ssyncset.done $0x0  }
0x46: {  	[sflag:s17] =	ssyncadd.s32 $0xFFFFE000  }
0x47: {  	_ =	swait.ge [sflag:s17], $0x2000  }
0x48: {  	[sflag:s17] =	ssyncset.done $0x0  }
0x49: {  	[sflag:s17] =	ssyncadd.s32 $0xFFFFE000  }
0x4a: {  	_ =	swait.ge [sflag:s17], $0x2000  }
.Ltmp0:
0x4b: {  	[sflag:s17] =	ssyncset.done $0x0;
	(pc) =	sbr.rel @p0 .LBB2_2-.Ltmp0, $4  }
0x4c: {  	[sflag:s17] =	ssyncadd.s32 $0xFFFFE000  }
0x4d: {  	[hbm4b:s19+s2] =	stream.linear.scatter [tilespmem:s9], [sflag:$0x2], $0xA000, $0x38;
	[tilespmem:$0xA280] =	vst v63  }
0x4e: {  	_ =	swait.ge [sflag:s7], $0xA000  }
0x4f: {  	s21 =	smov.u32 s23;
	s19 =	sadd.s32 $0x1400, s19;
	[sflag:s7] =	ssyncset.done $0x0  }
0x50: {  	s20 =	sadd.s32 s20, s6;
	[sflag:s7] =	ssyncadd.s32 $0xFFFF6000  }
0x51: {  	[tilespmem:s2], [sflag:$0x2] =	stream.linear.gather [hbm4b:s20+s2], $0x280, $0x38;
	[tilespmem:$0xA280] =	vst v63  }
0x52: {  	_ =	swait.ge [sflag:s7], $0x280  }
0x53: {  	[sflag:s7] =	ssyncset.done $0x0  }
0x54: {  	[sflag:s7] =	ssyncadd.s32 $0xFFFFFD80  }
0x55: {  	[tilespmem:s9], [sflag:$0x1] =	stream.indirect.gather [hbm4b:s3+s8], $0x40, s2, s8, $0xb8;
	[tilespmem:$0xA280] =	vst v63  }
0x56: {  	_ = 	snop  }
0x57: {  	[tilespmem:s10], [sflag:$0x1] =	stream.indirect.gather [hbm4b:s3+s8], $0x40, s8, s8, $0xb8;
	[tilespmem:$0xA280] =	vst v63  }
0x58: {  	_ = 	snop  }
0x59: {  	[tilespmem:s12], [sflag:$0x1] =	stream.indirect.gather [hbm4b:s3+s8], $0x40, s11, s8, $0xb8;
	[tilespmem:$0xA280] =	vst v63  }
0x5a: {  	_ = 	snop  }
0x5b: {  	[tilespmem:s14], [sflag:$0x1] =	stream.indirect.gather [hbm4b:s3+s8], $0x40, s13, s8, $0xb8;
	[tilespmem:$0xA280] =	vst v63  }
0x5c: {  	_ = 	snop  }
0x5d: {  	[tilespmem:s16], [sflag:$0x1] =	stream.indirect.gather [hbm4b:s3+s8], $0x40, s15, s8, $0xb8;
	[tilespmem:$0xA280] =	vst v63  }
0x5e: {  	_ =	swait.ge [sflag:s17], $0x2000  }
0x5f: {  	[sflag:s17] =	ssyncset.done $0x0  }
0x60: {  	[sflag:s17] =	ssyncadd.s32 $0xFFFFE000  }
0x61: {  	_ =	swait.ge [sflag:s17], $0x2000  }
0x62: {  	[sflag:s17] =	ssyncset.done $0x0  }
0x63: {  	[sflag:s17] =	ssyncadd.s32 $0xFFFFE000  }
0x64: {  	_ =	swait.ge [sflag:s17], $0x2000  }
0x65: {  	[sflag:s17] =	ssyncset.done $0x0  }
0x66: {  	[sflag:s17] =	ssyncadd.s32 $0xFFFFE000  }
0x67: {  	_ =	swait.ge [sflag:s17], $0x2000  }
0x68: {  	[sflag:s17] =	ssyncset.done $0x0  }
0x69: {  	[sflag:s17] =	ssyncadd.s32 $0xFFFFE000  }
0x6a: {  	s18 =	sadd.s32 $0x1, s18;
	_ =	swait.ge [sflag:s17], $0x2000  }
0x6b: {  	p0 =	sne.s32 s18, s4;
	[sflag:s17] =	ssyncset.done $0x0  }
.Ltmp1:
0x6c: {  	[sflag:s17] =	ssyncadd.s32 $0xFFFFE000;
	(pc) =	sbr.rel @p0 .LBB2_1-.Ltmp1, $4  }
0x6d: {  	[hbm4b:s19+s2] =	stream.linear.scatter [tilespmem:s9], [sflag:$0x2], $0xA000, $0x38;
	[tilespmem:$0xA280] =	vst v63  }
0x6e: {  	_ =	swait.ge [sflag:s7], $0xA000  }
0x6f: {  	[sflag:s7] =	ssyncset.done $0x0  }
0x70: {  	[sflag:s7] =	ssyncadd.s32 $0xFFFF6000  }
0x71: {  	_ =	sfence.sel $0x180000  }
0x72: {  	[bflag:$0x0] =	sbarrier.arrive $0xFFFF  }
0x73: {  	p0 =	sne.s32 s1, $0x0;
	_ =	strace $0x9000004D  }
0x74: {  	s0 =	sadd.s32 @!p0 $0x100000, s0;
	[bflag:$0x2] =	sbarrier.arrive $0xFFFF  }
0x75: {  	[sflag:s0] =	ssyncadd.tile.s32 @!p0 $0x1;
	_ =	shalt  }
.Lfunc_end2:
_tile_overlayer_lowered:
.L_overlay_start_2:
0x76: {  	(tag) =	ssettag $0x2  }
0x77: {  	s0 =	rddreg [dreg:$0x0];
	s2 =	stileid.u32  }
0x78: {  	s1 =	rddreg [dreg:$0x1];
	p0 =	sne.s32 s2, $0x0  }
0x79: {  	s3 =	rddreg [dreg:$0x2];
	[bflag:$0x3] =	sbarrier.arrive $0xFFFF;
	s2 =	simm.s32 @!p0 $0x1C02  }
0x7a: {  	[timem:s3], [sflag:s2] =	dma.local @!p0 [hbm:s0], s1  }
0x7b: {  	s0 =	simm.s32 @!p0 $0x2  }
0x7c: {  	_ =	swait.ge @!p0 [sflag:s0], s1  }
0x7d: {  	s1 =	ssub.s32 @!p0 $0x0, s1;
	[sflag:s0] =	ssyncset.done @!p0 $0x0  }
0x7e: {  	[sflag:s0] =	ssyncadd.s32 @!p0 s1  }
0x7f: {  	[bflag:$0x3] =	sbarrier.arrive $0xFFFF  }
0x80: {  	_ =	shalt  }

// kernel: kernel.20.cloned.1.call-start
scs
__scs_entry_jumppad:
0x0: {  	(pc) =	sbr.rel $0x88, $3  }
0x1: {  	(tag) =	ssettag $0x0;
	lr =	simm.s32 $0x1  }
0x2: {  	[smem:$0x3F9E] =	sst lr;
	_ =	strace $0xD0000000  }
0x3: {  	_ = 	snop  }
0x4: {  	_ = 	snop  }
0x5: {  	_ = 	snop  }
0x6: {  	_ = 	snop  }
0x7: {  	_ = 	snop  }
__scs_overlays_trampoline_lowered:
0x8: {  	[smem:$0x3FAD] =	sst s0  }
0x9: {  	[smem:$0x3FAE] =	sst s1  }
0xa: {  	[smem:$0x3FAF] =	sst s2  }
0xb: {  	[smem:$0x3FB0] =	sst s3  }
0xc: {  	[smem:$0x3FB1] =	sst s4  }
0xd: {  	[smem:$0x3FB2] =	sst s5  }
0xe: {  	[smem:$0x3FB3] =	sst s6  }
0xf: {  	[smem:$0x3FB4] =	sst s7  }
0x10: {  	[smem:$0x3FB5] =	sst s8  }
0x11: {  	[smem:$0x3FB6] =	sst s9;
	s0 =	simm.s32 @!p0 $0x0  }
0x12: {  	s1 =	sld [smem:$0x3F9C];
	s0 =	simm.s32 @p0 $0x1  }
0x13: {  	[smem:$0x3FB7] =	sst s0;
	s0 =	simm.s32 @!p1 $0x0  }
0x14: {  	s2 =	sld [smem:$0x3F9B];
	s0 =	simm.s32 @p1 $0x1  }
0x15: {  	[smem:$0x3FB8] =	sst s0;
	s0 =	simm.s32 @!p2 $0x0  }
0x16: {  	s3 =	sld [smem:$0x3FDB];
	s0 =	simm.s32 @p2 $0x1  }
0x17: {  	s4 =	simm.s32 $0x1BF5;
	[smem:$0x3FBA] =	sst s0  }
0x18: {  	s0 =	sld [smem:$0x3F9D];
	_ =	swait.ge [sflag:s4], $0x0  }
0x19: {  	s7 =	sld [smem:$0x3F9E]  }
0x1a: {  	s8 =	sadd.s32 $0xFFFFE003, lr  }
0x1b: {  	s9 =	sadd.s32 $0xFFFFFEF7, lr;
	s5 =	simm.s32 $0xFFFFFFFF;
	p2 =	slt.u32 s8, $0xFFFFF086  }
0x1c: {  	p1 =	slt.u32 s9, $0xF7A;
	s5 =	simm.s32 @!p2 $0x0  }
0x1d: {  	s5 =	simm.s32 @p1 $0x1;
	p0 =	seq.s32 s7, s2  }
0x1e: {  	s7 =	smul.u32 @!p0 $0xF7A, s2;
	p2 =	seq.s32 @!p0 s5, $0x0  }
0x1f: {  	s9 =	smul.u32 $0xF7A, s1;
	s8 =	simm.s32 @!p0 $0x1BF5;
	p2 =	por !p2, p0  }
0x20: {  	[sflag:s8] =	ssyncset.s32 @!p0 $0xFFFFF086;
	s6 =	sadd.s32 @!p0 s3, s7;
	s7 =	simm.s32 @!p0 $0x108  }
0x21: {  	s3 =	sadd.s32 s3, s9;
	s6 =	sadd.s32 @!p0 $0x88, s6;
	s7 =	simm.s32 @p2 $0x1082  }
0x22: {  	[simem:s7], [sflag:s8] =	dma.local @!p0 [hbm:s6], $0xF7A  }
0x23: {  	s9 =	sor.u32 $0xD0000000, s2;
	s6 =	simm.s32 $0x108;
	_ =	swait.ge @!p0 [sflag:s8], $0x0  }
0x24: {  	s3 =	sadd.s32 $0x88, s3;
	s6 =	simm.s32 @!p1 $0x1082;
	[sflag:s4] =	ssyncset.s32 $0xFFFFF086  }
0x25: {  	[simem:s6], [sflag:s4] =	dma.local [hbm:s3], $0xF7A  }
0x26: {  	[smem:$0x3F9E] =	sst s1;
	(tag) =	ssettag s2;
	_ =	strace s9  }
0x27: {  	s1 =	sld [smem:$0x3FAE]  }
0x28: {  	s2 =	sld [smem:$0x3FAF]  }
0x29: {  	s4 =	sld [smem:$0x3FB1]  }
0x2a: {  	p0 =	seq.s32 s5, $0x0;
	s5 =	sld [smem:$0x3FB2]  }
0x2b: {  	s6 =	sld [smem:$0x3FB3]  }
0x2c: {  	s7 =	sld [smem:$0x3FB4]  }
0x2d: {  	s3 =	simm.s32 $0x108;
	s8 =	sld [smem:$0x3FB5]  }
0x2e: {  	s3 =	simm.s32 @!p0 $0x1082;
	s9 =	sld [smem:$0x3FB6]  }
0x2f: {  	lr =	sadd.s32 s0, s3;
	s0 =	sld [smem:$0x3FAD]  }
0x30: {  	s3 =	sld [smem:$0x3FB0]  }
0x31: {  	[smem:$0x3FB9] =	sst s10  }
0x32: {  	s10 =	sld [smem:$0x3FB7];
	_ =	sdelay $0x3  }
0x33: {  	p0 =	seq.s32 s10, $0x1;
	s10 =	sld [smem:$0x3FB9];
	_ =	sdelay $0x3  }
0x34: {  	[smem:$0x3FB9] =	sst s10  }
0x35: {  	s10 =	sld [smem:$0x3FB8];
	_ =	sdelay $0x3  }
0x36: {  	p1 =	seq.s32 s10, $0x1;
	s10 =	sld [smem:$0x3FB9];
	_ =	sdelay $0x3  }
0x37: {  	[smem:$0x3FB9] =	sst s10  }
0x38: {  	s10 =	sld [smem:$0x3FBA]  }
0x39: {  	_ = 	snop;
	(pc) =	sbr.ind lr, $3  }
0x3a: {  	_ = 	snop  }
0x3b: {  	_ = 	snop  }
0x3c: {  	p2 =	seq.s32 s10, $0x1;
	s10 =	sld [smem:$0x3FB9]  }
0x3d: {  	_ =	shalt  }
0x3e: {  	_ =	shalt  }
0x3f: {  	_ =	shalt  }
0x40: {  	_ =	shalt  }
0x41: {  	_ =	shalt  }
0x42: {  	_ =	shalt  }
0x43: {  	_ =	shalt  }
0x44: {  	_ =	shalt  }
0x45: {  	_ =	shalt  }
0x46: {  	_ =	shalt  }
0x47: {  	_ =	shalt  }
0x48: {  	_ =	shalt  }
0x49: {  	_ =	shalt  }
0x4a: {  	_ =	shalt  }
0x4b: {  	_ =	shalt  }
0x4c: {  	_ =	shalt  }
0x4d: {  	_ =	shalt  }
0x4e: {  	_ =	shalt  }
0x4f: {  	_ =	shalt  }
0x50: {  	_ =	shalt  }
0x51: {  	_ =	shalt  }
0x52: {  	_ =	shalt  }
0x53: {  	_ =	shalt  }
0x54: {  	_ =	shalt  }
0x55: {  	_ =	shalt  }
0x56: {  	_ =	shalt  }
0x57: {  	_ =	shalt  }
0x58: {  	_ =	shalt  }
0x59: {  	_ =	shalt  }
0x5a: {  	_ =	shalt  }
0x5b: {  	_ =	shalt  }
0x5c: {  	_ =	shalt  }
0x5d: {  	_ =	shalt  }
0x5e: {  	_ =	shalt  }
0x5f: {  	_ =	shalt  }
0x60: {  	_ =	shalt  }
0x61: {  	_ =	shalt  }
0x62: {  	_ =	shalt  }
0x63: {  	_ =	shalt  }
0x64: {  	_ =	shalt  }
0x65: {  	_ =	shalt  }
0x66: {  	_ =	shalt  }
0x67: {  	_ =	shalt  }
0x68: {  	_ =	shalt  }
0x69: {  	_ =	shalt  }
0x6a: {  	_ =	shalt  }
0x6b: {  	_ =	shalt  }
0x6c: {  	_ =	shalt  }
0x6d: {  	_ =	shalt  }
0x6e: {  	_ =	shalt  }
0x6f: {  	_ =	shalt  }
0x70: {  	_ =	shalt  }
0x71: {  	_ =	shalt  }
0x72: {  	_ =	shalt  }
0x73: {  	_ =	shalt  }
0x74: {  	_ =	shalt  }
0x75: {  	_ =	shalt  }
0x76: {  	_ =	shalt  }
0x77: {  	_ =	shalt  }
0x78: {  	_ =	shalt  }
0x79: {  	_ =	shalt  }
0x7a: {  	_ =	shalt  }
0x7b: {  	_ =	shalt  }
0x7c: {  	_ =	shalt  }
0x7d: {  	_ =	shalt  }
0x7e: {  	_ =	shalt  }
0x7f: {  	_ =	shalt  }
0x80: {  	_ =	shalt  }
0x81: {  	_ =	shalt  }
0x82: {  	_ =	shalt  }
0x83: {  	_ =	shalt  }
0x84: {  	_ =	shalt  }
0x85: {  	_ =	shalt  }
0x86: {  	_ =	shalt  }
0x87: {  	_ =	shalt  }
.Lfunc_end0:
.L_simem_size_0:
called_computation.3_lowered:
.L_overlay_start_0:
0x88: {  	s2 =	sld [smem:$0x3FD9]  }
0x89: {  	s3 =	sld [smem:$0x3FFE];
	_ =	sdelay $0x1  }
0x8a: {  	s1 =	srdreg.scid  }
0x8b: {  	s0 =	sand.u32 $0x1, s1  }
0x8c: {  	s17 =	sshll.u32 s0, $0xA;
	s2 =	sadd.s32 s3, s2  }
0x8d: {  	s2 =	sadd.s32 s2, s17  }
0x8e: {  	[smem:$0x3FC5] =	sst s2  }
0x8f: {  	_ = 	snop  }
0x90: {  	(tm) =	ssettm $0x1  }
0x91: {  	s18 =	sld [smem:$0x3FFB];
	_ =	sdelay $0x3  }
0x92: {  	_ =	strace s18  }
0x93: {  	s2 =	sld [smem:$0x3FFC];
	_ =	sdelay $0x3  }
0x94: {  	_ =	strace s2  }
0x95: {  	s2 =	sld [smem:$0x3FFD];
	_ =	sdelay $0x3  }
0x96: {  	_ =	strace s2  }
0x97: {  	_ =	strace $0x8FFFFFFF  }
0x98: {  	s19 =	sld [smem:$0x3FDB];
	_ =	sdelay $0x1  }
0x99: {  	s20 =	simm.s32 $_scs_section_size  }
0x9a: {  	s4 =	simm.s32 $_size__tile_overlayer_lowered;
	s5 =	simm.s32 $_tile_overlayer_lowered  }
0x9b: {  	s6 =	simm.s32 $0x1BFF;
	s21 =	sshll.u32 s5, $0x1;
	s3 =	sadd.s32 s20, s19  }
0x9c: {  	s22 =	simm.s32 $0x0;
	s4 =	sshll.u32 s4, $0x1;
	s5 =	sadd.s32 s21, s3  }
0x9d: {  	[timem:s22], [sflag:s6] =	dma.local [hbm:s5], s4  }
0x9e: {  	_ =	swait.ge [sflag:s6], s4  }
0x9f: {  	s4 =	ssub.s32 $0x0, s4;
	[sflag:s6] =	ssyncset.done $0x0  }
0xa0: {  	[sflag:s6] =	ssyncadd.s32 s4;
	_ =	sdelay $0x1  }
0xa1: {  	s23 =	simm.s32 $0x1B8B  }
0xa2: {  	_ =	swait.ge [sflag:s23], $0x1  }
0xa3: {  	[sflag:s23] =	ssyncset.done $0x0  }
0xa4: {  	[sflag:s23] =	ssyncadd.s32 $0xFFFFFFFF  }
0xa5: {  	s4 =	sld [smem:$0x0]  }
0xa6: {  	s5 =	sand.u32 $0xFFFFFFFE, s1  }
0xa7: {  	p0 =	sne.s32 s1, s5  }
0xa8: {  	s5 =	sshll.u32 @p0 s5, $0xE  }
0xa9: {  	s5 =	sadd.s32 @p0 $0x11B8D, s5;
	s6 =	sshll.u32 @p0 s4, $0x11  }
0xaa: {  	s5 =	sor.u32 @p0 s6, s5  }
0xab: {  	[sflag:s5] =	ssyncadd.remote.s32 @p0 $0x1;
	_ =	sdelay $0x1  }
0xac: {  	s5 =	simm.s32 @p0 $0x1B8D  }
0xad: {  	_ =	swait.eq @p0 [sflag:s5], $0x1  }
0xae: {  	[sflag:s5] =	ssyncadd.s32 @p0 $0xFFFFFFFF  }
0xaf: {  	s6 =	sshll.u32 @!p0 s1, $0xE  }
0xb0: {  	s6 =	sor.u32 @!p0 $0x4000, s6;
	s5 =	simm.s32 @!p0 $0x1B8D  }
0xb1: {  	s4 =	sshll.u32 @!p0 s4, $0x11;
	s6 =	sadd.s32 @!p0 $0x11B8D, s6;
	_ =	swait.eq @!p0 [sflag:s5], $0x1  }
0xb2: {  	s4 =	sor.u32 @!p0 s4, s6;
	[sflag:s5] =	ssyncadd.s32 @!p0 $0xFFFFFFFF  }
0xb3: {  	s25 =	simm.s32 $0x1B8E;
	s24 =	sld [smem:$0x3FFE];
	[sflag:s4] =	ssyncadd.remote.s32 @!p0 $0x1  }
0xb4: {  	s26 =	simm.s32 $execute0_lowered;
	[smem:$0x3FD2] =	sst s25  }
0xb5: {  	s5 =	sshll.u32 s26, $0x1;
	_ =	strace $0x8000004F;
	[dreg:$0x1] =	wrdreg $0xFFFFFFFF  }
0xb6: {  	s28 =	simm.s32 $_size_execute0_lowered;
	s3 =	sadd.s32 s3, s5;
	[dreg:$0x0] =	wrdreg $0x0  }
0xb7: {  	s5 =	sshll.u32 s28, $0x1;
	[dreg:$0x2] =	wrdreg s3  }
0xb8: {  	[dreg:$0x3] =	wrdreg s5  }
0xb9: {  	[dreg:$0x4] =	wrdreg $0xC0  }
0xba: {  	_ =	task [dreg:s22], $0x5FFFF  }
0xbb: {  	[dreg:$0x1] =	wrdreg $0xFFFFFFFF  }
0xbc: {  	[dreg:$0x0] =	wrdreg $0x60  }
0xbd: {  	[dreg:$0x2] =	wrdreg s24  }
0xbe: {  	[dreg:$0x3] =	wrdreg $0xC  }
0xbf: {  	_ =	task.clear_ibuf [dreg:s22], $0x4FFFF;
	_ =	strace $0x9000004F  }
0xc0: {  	s29 =	simm.s32 $0xC;
	_ =	strace $0x80000051  }
0xc1: {  	_ =	swait.ge [sflag:s29], $0x1  }
0xc2: {  	[sflag:s29] =	ssyncadd.s32 $0xFFFFFFFF  }
0xc3: {  	_ =	strace $0x90000051  }
0xc4: {  	_ =	sfence  }
0xc5: {  	s30 =	sld [smem:$0x0];
	_ =	sdelay $0x2  }
0xc6: {  	s31 =	sshll.u32 s1, $0xD;
	s1 =	sshrl.u32 s1, $0x2  }
0xc7: {  	s4 =	sand.u32 $0x4000, s31;
	s1 =	sadd.s32 s1, s30  }
0xc8: {  	s0 =	sor.u32 s4, s0;
	s1 =	sshll.u32 s1, $0x11  }
0xc9: {  	s0 =	sor.u32 s1, s0  }
0xca: {  	s0 =	sadd.s32 $0x8F2B, s0  }
0xcb: {  	[sflag:s0] =	ssyncadd.remote.s32 $0x1  }
0xcc: {  	_ =	sfence.sel $0xFFFF  }
0xcd: {  	[dreg:$0x0] =	wrdreg $0xFFFFFFFF;
	(pc) =	sbr.abs _section_cstart, $3  }
0xce: {  	[dreg:$0x1] =	wrdreg $0xFFFFFFFF  }
0xcf: {  	_ =	task.clear_ibuf [dreg:s22], $0x2FFFF;
	_ =	strace $0x9FFFFFFF  }
0xd0: {  	(tm) =	ssettm $0x7FFFFFFF  }
0xd1: {  	_ =	shalt  }
tec
execute0_lowered:
.L_overlay_start_1:
0x0: {  	(tag) =	ssettag $0x1  }
0x1: {  	s4 =	rddreg [dreg:$0x0]  }
0x2: {  	s0 =	rddreg [dreg:$0x1]  }
0x3: {  	s3 =	srdreg.scid;
	s1 =	stileid.u32  }
0x4: {  	s2 =	simm.s32 $0x0;
	s10 =	simm.s32 $0x2280;
	s11 =	simm.s32 $0x100  }
0x5: {  	s12 =	simm.s32 $0x4280;
	s13 =	simm.s32 $0x180;
	s14 =	simm.s32 $0x6280  }
0x6: {  	s15 =	simm.s32 $0x200;
	s16 =	simm.s32 $0x8280;
	s17 =	simm.s32 $0x1  }
0x7: {  	s18 =	simm.s32 $0x0;
	s5 =	sand.u32 $0x1, s3;
	s6 =	smul.u32 $0x3200, s1  }
0x8: {  	[smem:$0x7FF] =	sst s2;
	s3 =	sadd.s32 $0xDDA00, s4;
	s7 =	smul.u32 $0x1900, s5  }
0x9: {  	s30 =	smul.u32 $0x19000, s1;
	_ =	strace $0x80000050;
	s8 =	ssub.s32 $0x2, s5  }
0xa: {  	s5 =	smul.u32 $0xC800, s5;
	s9 =	sshrl.u32 s8, $0x1;
	s6 =	sadd.s32 s7, s6  }
0xb: {  	s7 =	sadd.s32 s30, s4;
	s31 =	ssub.s32 s8, s9;
	s6 =	sadd.s32 $0x96000, s6  }
0xc: {  	s8 =	simm.s32 $0x80;
	s9 =	simm.s32 $0x280;
	s6 =	sshrl.u32 s6, $0x3  }
0xd: {  	s5 =	sadd.s32 s5, s7;
	s7 =	simm.s32 $0x2;
	s6 =	sadd.s32 s6, s4  }
0xe: {  	s5 =	sadd.s32 $0x4D4800, s5;
	s4 =	smax.u32 s31, $0x1;
	s6 =	sadd.s32 $0xC4A00, s6  }
.LBB2_1:
0xf: {  	s19 =	sadd.s32 $0x0, s6  }
0x10: {  	[tilespmem:s2], [sflag:$0x2] =	stream.linear.gather [hbm4b:s19+s2], $0x280, $0x38;
	[tilespmem:$0xA280] =	vst v63  }
0x11: {  	_ =	swait.ge [sflag:s7], $0x280  }
0x12: {  	[sflag:s7] =	ssyncset.done $0x0  }
0x13: {  	[sflag:s7] =	ssyncadd.s32 $0xFFFFFD80  }
0x14: {  	[tilespmem:s9], [sflag:$0x1] =	stream.indirect.gather [hbm4b:s3+s8], $0x40, s2, s8, $0xb8;
	[tilespmem:$0xA280] =	vst v63  }
0x15: {  	_ = 	snop  }
0x16: {  	[tilespmem:s10], [sflag:$0x1] =	stream.indirect.gather [hbm4b:s3+s8], $0x40, s8, s8, $0xb8;
	[tilespmem:$0xA280] =	vst v63  }
0x17: {  	_ = 	snop  }
0x18: {  	[tilespmem:s12], [sflag:$0x1] =	stream.indirect.gather [hbm4b:s3+s8], $0x40, s11, s8, $0xb8;
	[tilespmem:$0xA280] =	vst v63  }
0x19: {  	_ = 	snop  }
0x1a: {  	[tilespmem:s14], [sflag:$0x1] =	stream.indirect.gather [hbm4b:s3+s8], $0x40, s13, s8, $0xb8;
	[tilespmem:$0xA280] =	vst v63  }
0x1b: {  	_ = 	snop  }
0x1c: {  	[tilespmem:s16], [sflag:$0x1] =	stream.indirect.gather [hbm4b:s3+s8], $0x40, s15, s8, $0xb8;
	[tilespmem:$0xA280] =	vst v63  }
0x1d: {  	_ =	swait.ge [sflag:s17], $0x2000  }
0x1e: {  	[sflag:s17] =	ssyncset.done $0x0  }
0x1f: {  	[sflag:s17] =	ssyncadd.s32 $0xFFFFE000  }
0x20: {  	_ =	swait.ge [sflag:s17], $0x2000  }
0x21: {  	[sflag:s17] =	ssyncset.done $0x0  }
0x22: {  	[sflag:s17] =	ssyncadd.s32 $0xFFFFE000  }
0x23: {  	_ =	swait.ge [sflag:s17], $0x2000  }
0x24: {  	[sflag:s17] =	ssyncset.done $0x0  }
0x25: {  	[sflag:s17] =	ssyncadd.s32 $0xFFFFE000  }
0x26: {  	_ =	swait.ge [sflag:s17], $0x2000  }
0x27: {  	[sflag:s17] =	ssyncset.done $0x0  }
0x28: {  	[sflag:s17] =	ssyncadd.s32 $0xFFFFE000  }
0x29: {  	_ =	swait.ge [sflag:s17], $0x2000  }
0x2a: {  	[sflag:s17] =	ssyncset.done $0x0  }
0x2b: {  	[sflag:s17] =	ssyncadd.s32 $0xFFFFE000  }
0x2c: {  	[hbm4b:s5+s2] =	stream.linear.scatter [tilespmem:s9], [sflag:$0x2], $0xA000, $0x38;
	[tilespmem:$0xA280] =	vst v63  }
0x2d: {  	s20 =	simm.s32 $0x50;
	_ =	swait.ge [sflag:s7], $0xA000  }
0x2e: {  	s21 =	simm.s32 $0xA0;
	s19 =	sadd.s32 $0x1400, s5;
	[sflag:s7] =	ssyncset.done $0x0  }
.LBB2_2:
0x2f: {  	s22 =	sadd.s32 s20, s6  }
0x30: {  	[sflag:s7] =	ssyncadd.s32 $0xFFFF6000;
	s20 =	smov.u32 s21;
	s23 =	sadd.s32 $0x50, s21  }
0x31: {  	[tilespmem:s2], [sflag:$0x2] =	stream.linear.gather [hbm4b:s22+s2], $0x280, $0x38;
	[tilespmem:$0xA280] =	vst v63  }
0x32: {  	p0 =	sne.s32 s21, $0x2D0;
	_ =	swait.ge [sflag:s7], $0x280  }
0x33: {  	[sflag:s7] =	ssyncset.done $0x0  }
0x34: {  	[sflag:s7] =	ssyncadd.s32 $0xFFFFFD80  }
0x35: {  	[tilespmem:s9], [sflag:$0x1] =	stream.indirect.gather [hbm4b:s3+s8], $0x40, s2, s8, $0xb8;
	[tilespmem:$0xA280] =	vst v63  }
0x36: {  	_ = 	snop  }
0x37: {  	[tilespmem:s10], [sflag:$0x1] =	stream.indirect.gather [hbm4b:s3+s8], $0x40, s8, s8, $0xb8;
	[tilespmem:$0xA280] =	vst v63  }
0x38: {  	_ = 	snop  }
0x39: {  	[tilespmem:s12], [sflag:$0x1] =	stream.indirect.gather [hbm4b:s3+s8], $0x40, s11, s8, $0xb8;
	[tilespmem:$0xA280] =	vst v63  }
0x3a: {  	_ = 	snop  }
0x3b: {  	[tilespmem:s14], [sflag:$0x1] =	stream.indirect.gather [hbm4b:s3+s8], $0x40, s13, s8, $0xb8;
	[tilespmem:$0xA280] =	vst v63  }
0x3c: {  	_ = 	snop  }
0x3d: {  	[tilespmem:s16], [sflag:$0x1] =	stream.indirect.gather [hbm4b:s3+s8], $0x40, s15, s8, $0xb8;
	[tilespmem:$0xA280] =	vst v63  }
0x3e: {  	_ =	swait.ge [sflag:s17], $0x2000  }
0x3f: {  	[sflag:s17] =	ssyncset.done $0x0  }
0x40: {  	[sflag:s17] =	ssyncadd.s32 $0xFFFFE000  }
0x41: {  	_ =	swait.ge [sflag:s17], $0x2000  }
0x42: {  	[sflag:s17] =	ssyncset.done $0x0  }
0x43: {  	[sflag:s17] =	ssyncadd.s32 $0xFFFFE000  }
0x44: {  	_ =	swait.ge [sflag:s17], $0x2000  }
0x45: {  	[sflag:s17] =	ssyncset.done $0x0  }
0x46: {  	[sflag:s17] =	ssyncadd.s32 $0xFFFFE000  }
0x47: {  	_ =	swait.ge [sflag:s17], $0x2000  }
0x48: {  	[sflag:s17] =	ssyncset.done $0x0  }
0x49: {  	[sflag:s17] =	ssyncadd.s32 $0xFFFFE000  }
0x4a: {  	_ =	swait.ge [sflag:s17], $0x2000  }
.Ltmp0:
0x4b: {  	[sflag:s17] =	ssyncset.done $0x0;
	(pc) =	sbr.rel @p0 .LBB2_2-.Ltmp0, $4  }
0x4c: {  	[sflag:s17] =	ssyncadd.s32 $0xFFFFE000  }
0x4d: {  	[hbm4b:s19+s2] =	stream.linear.scatter [tilespmem:s9], [sflag:$0x2], $0xA000, $0x38;
	[tilespmem:$0xA280] =	vst v63  }
0x4e: {  	_ =	swait.ge [sflag:s7], $0xA000  }
0x4f: {  	s21 =	smov.u32 s23;
	s19 =	sadd.s32 $0x1400, s19;
	[sflag:s7] =	ssyncset.done $0x0  }
0x50: {  	s20 =	sadd.s32 s20, s6;
	[sflag:s7] =	ssyncadd.s32 $0xFFFF6000  }
0x51: {  	[tilespmem:s2], [sflag:$0x2] =	stream.linear.gather [hbm4b:s20+s2], $0x280, $0x38;
	[tilespmem:$0xA280] =	vst v63  }
0x52: {  	_ =	swait.ge [sflag:s7], $0x280  }
0x53: {  	[sflag:s7] =	ssyncset.done $0x0  }
0x54: {  	[sflag:s7] =	ssyncadd.s32 $0xFFFFFD80  }
0x55: {  	[tilespmem:s9], [sflag:$0x1] =	stream.indirect.gather [hbm4b:s3+s8], $0x40, s2, s8, $0xb8;
	[tilespmem:$0xA280] =	vst v63  }
0x56: {  	_ = 	snop  }
0x57: {  	[tilespmem:s10], [sflag:$0x1] =	stream.indirect.gather [hbm4b:s3+s8], $0x40, s8, s8, $0xb8;
	[tilespmem:$0xA280] =	vst v63  }
0x58: {  	_ = 	snop  }
0x59: {  	[tilespmem:s12], [sflag:$0x1] =	stream.indirect.gather [hbm4b:s3+s8], $0x40, s11, s8, $0xb8;
	[tilespmem:$0xA280] =	vst v63  }
0x5a: {  	_ = 	snop  }
0x5b: {  	[tilespmem:s14], [sflag:$0x1] =	stream.indirect.gather [hbm4b:s3+s8], $0x40, s13, s8, $0xb8;
	[tilespmem:$0xA280] =	vst v63  }
0x5c: {  	_ = 	snop  }
0x5d: {  	[tilespmem:s16], [sflag:$0x1] =	stream.indirect.gather [hbm4b:s3+s8], $0x40, s15, s8, $0xb8;
	[tilespmem:$0xA280] =	vst v63  }
0x5e: {  	_ =	swait.ge [sflag:s17], $0x2000  }
0x5f: {  	[sflag:s17] =	ssyncset.done $0x0  }
0x60: {  	[sflag:s17] =	ssyncadd.s32 $0xFFFFE000  }
0x61: {  	_ =	swait.ge [sflag:s17], $0x2000  }
0x62: {  	[sflag:s17] =	ssyncset.done $0x0  }
0x63: {  	[sflag:s17] =	ssyncadd.s32 $0xFFFFE000  }
0x64: {  	_ =	swait.ge [sflag:s17], $0x2000  }
0x65: {  	[sflag:s17] =	ssyncset.done $0x0  }
0x66: {  	[sflag:s17] =	ssyncadd.s32 $0xFFFFE000  }
0x67: {  	_ =	swait.ge [sflag:s17], $0x2000  }
0x68: {  	[sflag:s17] =	ssyncset.done $0x0  }
0x69: {  	[sflag:s17] =	ssyncadd.s32 $0xFFFFE000  }
0x6a: {  	s18 =	sadd.s32 $0x1, s18;
	_ =	swait.ge [sflag:s17], $0x2000  }
0x6b: {  	p0 =	sne.s32 s18, s4;
	[sflag:s17] =	ssyncset.done $0x0  }
.Ltmp1:
0x6c: {  	[sflag:s17] =	ssyncadd.s32 $0xFFFFE000;
	(pc) =	sbr.rel @p0 .LBB2_1-.Ltmp1, $4  }
0x6d: {  	[hbm4b:s19+s2] =	stream.linear.scatter [tilespmem:s9], [sflag:$0x2], $0xA000, $0x38;
	[tilespmem:$0xA280] =	vst v63  }
0x6e: {  	_ =	swait.ge [sflag:s7], $0xA000  }
0x6f: {  	[sflag:s7] =	ssyncset.done $0x0  }
0x70: {  	[sflag:s7] =	ssyncadd.s32 $0xFFFF6000  }
0x71: {  	_ =	sfence.sel $0x180000  }
0x72: {  	[bflag:$0x0] =	sbarrier.arrive $0xFFFF  }
0x73: {  	p0 =	sne.s32 s1, $0x0;
	_ =	strace $0x90000050  }
0x74: {  	s0 =	sadd.s32 @!p0 $0x100000, s0;
	[bflag:$0x2] =	sbarrier.arrive $0xFFFF  }
0x75: {  	[sflag:s0] =	ssyncadd.tile.s32 @!p0 $0x1;
	_ =	shalt  }
.Lfunc_end2:
_tile_overlayer_lowered:
.L_overlay_start_2:
0x76: {  	(tag) =	ssettag $0x2  }
0x77: {  	s0 =	rddreg [dreg:$0x0];
	s2 =	stileid.u32  }
0x78: {  	s1 =	rddreg [dreg:$0x1];
	p0 =	sne.s32 s2, $0x0  }
0x79: {  	s3 =	rddreg [dreg:$0x2];
	[bflag:$0x3] =	sbarrier.arrive $0xFFFF;
	s2 =	simm.s32 @!p0 $0x1C02  }
0x7a: {  	[timem:s3], [sflag:s2] =	dma.local @!p0 [hbm:s0], s1  }
0x7b: {  	s0 =	simm.s32 @!p0 $0x2  }
0x7c: {  	_ =	swait.ge @!p0 [sflag:s0], s1  }
0x7d: {  	s1 =	ssub.s32 @!p0 $0x0, s1;
	[sflag:s0] =	ssyncset.done @!p0 $0x0  }
0x7e: {  	[sflag:s0] =	ssyncadd.s32 @!p0 s1  }
0x7f: {  	[bflag:$0x3] =	sbarrier.arrive $0xFFFF  }
0x80: {  	_ =	shalt  }

</sc_bundles>
